<compile_context>
chip_gen: v7x
topology: tpu7x:2x2x1
jax: 0.10.2.dev20260603
libtpu: 0.0.44.dev20260713+nightly
codegen_flags: <defaults>
</compile_context>

<pallas_src>
import functools

import jax
import jax.numpy as jnp
from jax import lax
from jax.experimental import pallas as pl
from jax.experimental.pallas import tpu as pltpu
from jax.experimental.pallas import tpu_sc as plsc

HEADS = 16
LANES = 16
NUM_WORKERS = 32
ROWS_PER_CHUNK = 2
UNROLL = 1

_GATHER_DNUMS = lax.GatherDimensionNumbers(
    offset_dims=(), collapsed_slice_dims=(0,), start_index_map=(0,))


def _vreg_gather(vec, lane_ids):
    return lax.gather(vec, lane_ids.reshape(LANES, 1), _GATHER_DNUMS, (1,),
                      mode=lax.GatherScatterMode.PROMISE_IN_BOUNDS)


def _build_sc_kernel(n_rows: int, n_cols: int):
    rows_w = n_rows // NUM_WORKERS
    idx_w = rows_w * n_cols
    blk_w = n_cols * HEADS
    chunk_w = ROWS_PER_CHUNK * blk_w
    n_chunks = rows_w // ROWS_PER_CHUNK
    n_pairs = n_chunks // 2
    groups = chunk_w // (HEADS * LANES)
    n_total = n_rows * n_cols
    mesh = plsc.VectorSubcoreMesh(core_axis_name="c", subcore_axis_name="s")

    @functools.partial(
        pl.kernel,
        mesh=mesh,
        out_type=jax.ShapeDtypeStruct((n_total * HEADS,), jnp.float32),
        compiler_params=pltpu.CompilerParams(needs_layout_passes=False),
        scratch_types=(
            [pltpu.VMEM((13 * HEADS,), jnp.float32)]
            + [pltpu.VMEM((idx_w,), jnp.int32)]
            + [pltpu.VMEM((chunk_w,), jnp.float32) for _ in range(2)]
            + [pltpu.SemaphoreType.DMA] * 5
        ),
    )
    def sc_kernel(x_hbm, w_hbm, out_hbm, *scratch):
        w_vmem, idx_vmem, row0, row1 = scratch[:4]
        w_sem, idx_sem, idx_sem2, out_sem0, out_sem1 = scratch[4:]
        row_bufs = (row0, row1)
        out_sems = (out_sem0, out_sem1)

        wid = lax.axis_index("s") * 2 + lax.axis_index("c")
        idx_base = wid * idx_w
        out_base = wid * rows_w * blk_w
        half_w = idx_w // 2
        w_handle = pltpu.async_copy(w_hbm, w_vmem, w_sem)
        h0 = pltpu.async_copy(
            x_hbm.at[pl.ds(idx_base, half_w)],
            idx_vmem.at[pl.ds(0, half_w)], idx_sem)
        pltpu.async_copy(
            x_hbm.at[pl.ds(idx_base + half_w, half_w)],
            idx_vmem.at[pl.ds(half_w, half_w)], idx_sem2)
        w_handle.wait()

        lane_iota = lax.iota(jnp.int32, LANES)
        w_cols = [plsc.load_gather(w_vmem, [lane_iota * HEADS + h])
                  for h in range(HEADS)]
        h0.wait()

        def compute_chunk(c, rb):
            @plsc.parallel_loop(0, groups, unroll=UNROLL)
            def body(u):
                il = c * ROWS_PER_CHUNK + (u >> 5)
                jpart = ((u >> 3) & 3) * 1024 + (u & 7) * LANES
                idx_vec = idx_vmem[pl.ds((il >> 3) * 4096 + (il & 7) * 128
                                         + jpart, LANES)]
                sbase = (u >> 5) * blk_w + jpart
                for h in range(HEADS):
                    val = _vreg_gather(w_cols[h], idx_vec)
                    off = (h // 8) * 4096 + (h % 8) * 128
                    row_bufs[rb][pl.ds(sbase + off, LANES)] = val

        def issue_out(c, rb):
            return pltpu.async_copy(
                row_bufs[rb],
                out_hbm.at[pl.ds(out_base + c * chunk_w, chunk_w)],
                out_sems[rb])

        def wait_out(rb):
            pltpu.make_async_copy(
                row_bufs[rb],
                out_hbm.at[pl.ds(0, chunk_w)],
                out_sems[rb]).wait()

        compute_chunk(0, 0)
        issue_out(0, 0)
        compute_chunk(1, 1)
        issue_out(1, 1)

        def pair_body(t, carry):
            c0 = t * 2

            @pl.when(t == n_pairs // 2)
            def _():
                pltpu.make_async_copy(
                    x_hbm.at[pl.ds(0, half_w)],
                    idx_vmem.at[pl.ds(half_w, half_w)], idx_sem2).wait()

            wait_out(0)
            compute_chunk(c0, 0)
            issue_out(c0, 0)
            wait_out(1)
            compute_chunk(c0 + 1, 1)
            issue_out(c0 + 1, 1)
            return carry

        lax.fori_loop(1, n_pairs, pair_body, 0, unroll=False)

        wait_out(0)
        wait_out(1)

    return sc_kernel


def kernel(x, spatial_encoding_weight):
    rows, cols = x.shape
    x_flat = (x.reshape(rows // 8, 8, cols // 128, 128)
              .transpose(0, 2, 1, 3).reshape(-1))
    flat = _build_sc_kernel(rows, cols)(
        x_flat, spatial_encoding_weight.reshape(-1))
    f5 = flat.reshape(rows, HEADS // 8, cols // 128, 8, 128)
    return f5.transpose(0, 2, 4, 1, 3).reshape(rows, cols, HEADS)

# --- scband reference (transcript-rebuilt; emitter-appended) ---
"""Pipeline reference for scband-graph-attn-bias-6571299963148 (READ-ONLY COPY).

The authoritative reference and input builder live on the scoring server;
editing this copy changes nothing except your own understanding.
"""

import jax, jax.numpy as jnp
import numpy as np

N_ATOM_TYPES = 13  # len(atom_type_mapping)
HEADS = 16

def setup_inputs(seed: int = 0) -> dict:
    key = jax.random.key(seed)
    k1, k2 = jax.random.split(key)
    x = jax.random.randint(k1, (4096, 512), 0, N_ATOM_TYPES, dtype=jnp.int64 if jax.config.jax_enable_x64 else jnp.int32)
    # nn.Embedding default init: N(0, 1)
    spatial_encoding_weight = jax.random.normal(k2, (N_ATOM_TYPES, HEADS), dtype=jnp.float32)
    return {"x": x, "spatial_encoding_weight": spatial_encoding_weight}

def reference(x, spatial_encoding_weight):
    # GraphAttnBias.forward: x = self.Spatial_Encoding(x)
    out = jnp.take(spatial_encoding_weight, x, axis=0)
    return out

if __name__ == "__main__":
    import jax
    _d = setup_inputs()
    print(jax.jit(kernel)(*tuple(_d.values())))

</pallas_src>

<mosaic_0001>
#map = affine_map<(d0, d1) -> (0)>
module attributes {stable_mosaic.version = 14 : i64} {
  func.func @sc_kernel(%arg0: i32, %arg1: i32, %arg2: memref<2097152xi32, #tpu.memory_space<hbm>>, %arg3: memref<208xf32, #tpu.memory_space<hbm>>, %arg4: memref<33554432xf32, #tpu.memory_space<hbm>>, %arg5: memref<208xf32, #tpu.memory_space<vmem>>, %arg6: memref<65536xi32, #tpu.memory_space<vmem>>, %arg7: memref<16384xf32, #tpu.memory_space<vmem>>, %arg8: memref<16384xf32, #tpu.memory_space<vmem>>, %arg9: memref<!tpu.dma_semaphore, #tpu.memory_space<semaphore_mem>>, %arg10: memref<!tpu.dma_semaphore, #tpu.memory_space<semaphore_mem>>, %arg11: memref<!tpu.dma_semaphore, #tpu.memory_space<semaphore_mem>>, %arg12: memref<!tpu.dma_semaphore, #tpu.memory_space<semaphore_mem>>, %arg13: memref<!tpu.dma_semaphore, #tpu.memory_space<semaphore_mem>>) attributes {dimension_semantics = [#tpu.dimension_semantics<core_parallel>, #tpu.dimension_semantics<subcore_parallel>], iteration_bounds = array<i64: 2, 16>, scalar_prefetch = 0 : i64, scratch_operands = 9 : i64, tpu.core_type = #tpu.core_type<sc_vector_subcore>, window_params = [{transform_indices = #map}, {transform_indices = #map}, {transform_indices = #map}]} {
    %mul3A = arith.constant 2 : i32
    %mul3A_0 = arith.muli %arg1, %mul3A : i32
    %add3A = arith.addi %mul3A_0, %arg0 : i32
    %mul3A_1 = arith.constant 65536 : i32
    %mul3A_2 = arith.muli %add3A, %mul3A_1 : i32
    %mul3A_3 = arith.constant 128 : i32
    %mul3A_4 = arith.muli %add3A, %mul3A_3 : i32
    %mul3A_5 = arith.constant 8192 : i32
    %mul3A_6 = arith.muli %mul3A_4, %mul3A_5 : i32
    tpu.enqueue_dma source(%arg3 : memref<208xf32, #tpu.memory_space<hbm>>) target(%arg5 : memref<208xf32, #tpu.memory_space<vmem>>) target_semaphore(%arg9 : memref<!tpu.dma_semaphore, #tpu.memory_space<semaphore_mem>>)
    %dma_start3A = arith.constant 0 : i32
    %dma_start3A_7 = tpu.memref_slice %arg6[%dma_start3A] : memref<65536xi32, #tpu.memory_space<vmem>> -> memref<32768xi32, #tpu.memory_space<vmem>>
    %dma_start3A_8 = tpu.memref_slice %arg2[%mul3A_2] : memref<2097152xi32, #tpu.memory_space<hbm>> -> memref<32768xi32, #tpu.memory_space<hbm>>
    %dma_start3A_9 = arith.constant 0 : i32
    %dma_start3A_10 = tpu.memref_slice %arg6[%dma_start3A_9] : memref<65536xi32, #tpu.memory_space<vmem>> -> memref<32768xi32, #tpu.memory_space<vmem>>
    %dma_start3A_11 = tpu.memref_slice %arg2[%mul3A_2] : memref<2097152xi32, #tpu.memory_space<hbm>> -> memref<32768xi32, #tpu.memory_space<hbm>>
    tpu.enqueue_dma source(%dma_start3A_11 : memref<32768xi32, #tpu.memory_space<hbm>>) target(%dma_start3A_10 : memref<32768xi32, #tpu.memory_space<vmem>>) target_semaphore(%arg10 : memref<!tpu.dma_semaphore, #tpu.memory_space<semaphore_mem>>)
    %add3A_12 = arith.constant 32768 : i32
    %add3A_13 = arith.addi %mul3A_2, %add3A_12 : i32
    %dma_start3A_14 = arith.constant 32768 : i32
    %dma_start3A_15 = tpu.memref_slice %arg6[%dma_start3A_14] : memref<65536xi32, #tpu.memory_space<vmem>> -> memref<32768xi32, #tpu.memory_space<vmem>>
    %dma_start3A_16 = tpu.memref_slice %arg2[%add3A_13] : memref<2097152xi32, #tpu.memory_space<hbm>> -> memref<32768xi32, #tpu.memory_space<hbm>>
    %dma_start3A_17 = arith.constant 32768 : i32
    %dma_start3A_18 = tpu.memref_slice %arg6[%dma_start3A_17] : memref<65536xi32, #tpu.memory_space<vmem>> -> memref<32768xi32, #tpu.memory_space<vmem>>
    %dma_start3A_19 = tpu.memref_slice %arg2[%add3A_13] : memref<2097152xi32, #tpu.memory_space<hbm>> -> memref<32768xi32, #tpu.memory_space<hbm>>
    tpu.enqueue_dma source(%dma_start3A_19 : memref<32768xi32, #tpu.memory_space<hbm>>) target(%dma_start3A_18 : memref<32768xi32, #tpu.memory_space<vmem>>) target_semaphore(%arg11 : memref<!tpu.dma_semaphore, #tpu.memory_space<semaphore_mem>>)
    tpu.wait_dma2 semaphore(%arg9 : memref<!tpu.dma_semaphore, #tpu.memory_space<semaphore_mem>>) src(%arg3 : memref<208xf32, #tpu.memory_space<hbm>>) dst(%arg5 : memref<208xf32, #tpu.memory_space<vmem>>)
    %iota3A = tpu.iota {dimensions = array<i32: 0>} : vector<16xi32>
    %mul3A_20 = arith.constant 16 : i32
    %mul3A_21 = vector.broadcast %mul3A_20 : i32 to vector<16xi32>
    %mul3A_22 = arith.muli %iota3A, %mul3A_21 : vector<16xi32>
    %add3A_23 = arith.constant 0 : i32
    %add3A_24 = vector.broadcast %add3A_23 : i32 to vector<16xi32>
    %add3A_25 = arith.addi %mul3A_22, %add3A_24 : vector<16xi32>
    %gather3A = tpu.vector_load_idx %arg5[%add3A_25] : memref<208xf32, #tpu.memory_space<vmem>>[vector<16xi32>], vector<16xf32>,
    %mul3A_26 = arith.constant 16 : i32
    %mul3A_27 = vector.broadcast %mul3A_26 : i32 to vector<16xi32>
    %mul3A_28 = arith.muli %iota3A, %mul3A_27 : vector<16xi32>
    %add3A_29 = arith.constant 1 : i32
    %add3A_30 = vector.broadcast %add3A_29 : i32 to vector<16xi32>
    %add3A_31 = arith.addi %mul3A_28, %add3A_30 : vector<16xi32>
    %gather3A_32 = tpu.vector_load_idx %arg5[%add3A_31] : memref<208xf32, #tpu.memory_space<vmem>>[vector<16xi32>], vector<16xf32>,
    %mul3A_33 = arith.constant 16 : i32
    %mul3A_34 = vector.broadcast %mul3A_33 : i32 to vector<16xi32>
    %mul3A_35 = arith.muli %iota3A, %mul3A_34 : vector<16xi32>
    %add3A_36 = arith.constant 2 : i32
    %add3A_37 = vector.broadcast %add3A_36 : i32 to vector<16xi32>
    %add3A_38 = arith.addi %mul3A_35, %add3A_37 : vector<16xi32>
    %gather3A_39 = tpu.vector_load_idx %arg5[%add3A_38] : memref<208xf32, #tpu.memory_space<vmem>>[vector<16xi32>], vector<16xf32>,
    %mul3A_40 = arith.constant 16 : i32
    %mul3A_41 = vector.broadcast %mul3A_40 : i32 to vector<16xi32>
    %mul3A_42 = arith.muli %iota3A, %mul3A_41 : vector<16xi32>
    %add3A_43 = arith.constant 3 : i32
    %add3A_44 = vector.broadcast %add3A_43 : i32 to vector<16xi32>
    %add3A_45 = arith.addi %mul3A_42, %add3A_44 : vector<16xi32>
    %gather3A_46 = tpu.vector_load_idx %arg5[%add3A_45] : memref<208xf32, #tpu.memory_space<vmem>>[vector<16xi32>], vector<16xf32>,
    %mul3A_47 = arith.constant 16 : i32
    %mul3A_48 = vector.broadcast %mul3A_47 : i32 to vector<16xi32>
    %mul3A_49 = arith.muli %iota3A, %mul3A_48 : vector<16xi32>
    %add3A_50 = arith.constant 4 : i32
    %add3A_51 = vector.broadcast %add3A_50 : i32 to vector<16xi32>
    %add3A_52 = arith.addi %mul3A_49, %add3A_51 : vector<16xi32>
    %gather3A_53 = tpu.vector_load_idx %arg5[%add3A_52] : memref<208xf32, #tpu.memory_space<vmem>>[vector<16xi32>], vector<16xf32>,
    %mul3A_54 = arith.constant 16 : i32
    %mul3A_55 = vector.broadcast %mul3A_54 : i32 to vector<16xi32>
    %mul3A_56 = arith.muli %iota3A, %mul3A_55 : vector<16xi32>
    %add3A_57 = arith.constant 5 : i32
    %add3A_58 = vector.broadcast %add3A_57 : i32 to vector<16xi32>
    %add3A_59 = arith.addi %mul3A_56, %add3A_58 : vector<16xi32>
    %gather3A_60 = tpu.vector_load_idx %arg5[%add3A_59] : memref<208xf32, #tpu.memory_space<vmem>>[vector<16xi32>], vector<16xf32>,
    %mul3A_61 = arith.constant 16 : i32
    %mul3A_62 = vector.broadcast %mul3A_61 : i32 to vector<16xi32>
    %mul3A_63 = arith.muli %iota3A, %mul3A_62 : vector<16xi32>
    %add3A_64 = arith.constant 6 : i32
    %add3A_65 = vector.broadcast %add3A_64 : i32 to vector<16xi32>
    %add3A_66 = arith.addi %mul3A_63, %add3A_65 : vector<16xi32>
    %gather3A_67 = tpu.vector_load_idx %arg5[%add3A_66] : memref<208xf32, #tpu.memory_space<vmem>>[vector<16xi32>], vector<16xf32>,
    %mul3A_68 = arith.constant 16 : i32
    %mul3A_69 = vector.broadcast %mul3A_68 : i32 to vector<16xi32>
    %mul3A_70 = arith.muli %iota3A, %mul3A_69 : vector<16xi32>
    %add3A_71 = arith.constant 7 : i32
    %add3A_72 = vector.broadcast %add3A_71 : i32 to vector<16xi32>
    %add3A_73 = arith.addi %mul3A_70, %add3A_72 : vector<16xi32>
    %gather3A_74 = tpu.vector_load_idx %arg5[%add3A_73] : memref<208xf32, #tpu.memory_space<vmem>>[vector<16xi32>], vector<16xf32>,
    %mul3A_75 = arith.constant 16 : i32
    %mul3A_76 = vector.broadcast %mul3A_75 : i32 to vector<16xi32>
    %mul3A_77 = arith.muli %iota3A, %mul3A_76 : vector<16xi32>
    %add3A_78 = arith.constant 8 : i32
    %add3A_79 = vector.broadcast %add3A_78 : i32 to vector<16xi32>
    %add3A_80 = arith.addi %mul3A_77, %add3A_79 : vector<16xi32>
    %gather3A_81 = tpu.vector_load_idx %arg5[%add3A_80] : memref<208xf32, #tpu.memory_space<vmem>>[vector<16xi32>], vector<16xf32>,
    %mul3A_82 = arith.constant 16 : i32
    %mul3A_83 = vector.broadcast %mul3A_82 : i32 to vector<16xi32>
    %mul3A_84 = arith.muli %iota3A, %mul3A_83 : vector<16xi32>
    %add3A_85 = arith.constant 9 : i32
    %add3A_86 = vector.broadcast %add3A_85 : i32 to vector<16xi32>
    %add3A_87 = arith.addi %mul3A_84, %add3A_86 : vector<16xi32>
    %gather3A_88 = tpu.vector_load_idx %arg5[%add3A_87] : memref<208xf32, #tpu.memory_space<vmem>>[vector<16xi32>], vector<16xf32>,
    %mul3A_89 = arith.constant 16 : i32
    %mul3A_90 = vector.broadcast %mul3A_89 : i32 to vector<16xi32>
    %mul3A_91 = arith.muli %iota3A, %mul3A_90 : vector<16xi32>
    %add3A_92 = arith.constant 10 : i32
    %add3A_93 = vector.broadcast %add3A_92 : i32 to vector<16xi32>
    %add3A_94 = arith.addi %mul3A_91, %add3A_93 : vector<16xi32>
    %gather3A_95 = tpu.vector_load_idx %arg5[%add3A_94] : memref<208xf32, #tpu.memory_space<vmem>>[vector<16xi32>], vector<16xf32>,
    %mul3A_96 = arith.constant 16 : i32
    %mul3A_97 = vector.broadcast %mul3A_96 : i32 to vector<16xi32>
    %mul3A_98 = arith.muli %iota3A, %mul3A_97 : vector<16xi32>
    %add3A_99 = arith.constant 11 : i32
    %add3A_100 = vector.broadcast %add3A_99 : i32 to vector<16xi32>
    %add3A_101 = arith.addi %mul3A_98, %add3A_100 : vector<16xi32>
    %gather3A_102 = tpu.vector_load_idx %arg5[%add3A_101] : memref<208xf32, #tpu.memory_space<vmem>>[vector<16xi32>], vector<16xf32>,
    %mul3A_103 = arith.constant 16 : i32
    %mul3A_104 = vector.broadcast %mul3A_103 : i32 to vector<16xi32>
    %mul3A_105 = arith.muli %iota3A, %mul3A_104 : vector<16xi32>
    %add3A_106 = arith.constant 12 : i32
    %add3A_107 = vector.broadcast %add3A_106 : i32 to vector<16xi32>
    %add3A_108 = arith.addi %mul3A_105, %add3A_107 : vector<16xi32>
    %gather3A_109 = tpu.vector_load_idx %arg5[%add3A_108] : memref<208xf32, #tpu.memory_space<vmem>>[vector<16xi32>], vector<16xf32>,
    %mul3A_110 = arith.constant 16 : i32
    %mul3A_111 = vector.broadcast %mul3A_110 : i32 to vector<16xi32>
    %mul3A_112 = arith.muli %iota3A, %mul3A_111 : vector<16xi32>
    %add3A_113 = arith.constant 13 : i32
    %add3A_114 = vector.broadcast %add3A_113 : i32 to vector<16xi32>
    %add3A_115 = arith.addi %mul3A_112, %add3A_114 : vector<16xi32>
    %gather3A_116 = tpu.vector_load_idx %arg5[%add3A_115] : memref<208xf32, #tpu.memory_space<vmem>>[vector<16xi32>], vector<16xf32>,
    %mul3A_117 = arith.constant 16 : i32
    %mul3A_118 = vector.broadcast %mul3A_117 : i32 to vector<16xi32>
    %mul3A_119 = arith.muli %iota3A, %mul3A_118 : vector<16xi32>
    %add3A_120 = arith.constant 14 : i32
    %add3A_121 = vector.broadcast %add3A_120 : i32 to vector<16xi32>
    %add3A_122 = arith.addi %mul3A_119, %add3A_121 : vector<16xi32>
    %gather3A_123 = tpu.vector_load_idx %arg5[%add3A_122] : memref<208xf32, #tpu.memory_space<vmem>>[vector<16xi32>], vector<16xf32>,
    %mul3A_124 = arith.constant 16 : i32
    %mul3A_125 = vector.broadcast %mul3A_124 : i32 to vector<16xi32>
    %mul3A_126 = arith.muli %iota3A, %mul3A_125 : vector<16xi32>
    %add3A_127 = arith.constant 15 : i32
    %add3A_128 = vector.broadcast %add3A_127 : i32 to vector<16xi32>
    %add3A_129 = arith.addi %mul3A_126, %add3A_128 : vector<16xi32>
    %gather3A_130 = tpu.vector_load_idx %arg5[%add3A_129] : memref<208xf32, #tpu.memory_space<vmem>>[vector<16xi32>], vector<16xf32>,
    %dma_wait3A = arith.constant 0 : i32
    %dma_wait3A_131 = tpu.memref_slice %arg6[%dma_wait3A] : memref<65536xi32, #tpu.memory_space<vmem>> -> memref<32768xi32, #tpu.memory_space<vmem>>
    %dma_wait3A_132 = tpu.memref_slice %arg2[%mul3A_2] : memref<2097152xi32, #tpu.memory_space<hbm>> -> memref<32768xi32, #tpu.memory_space<hbm>>
    %dma_wait3A_133 = arith.constant 0 : i32
    %dma_wait3A_134 = tpu.memref_slice %arg6[%dma_wait3A_133] : memref<65536xi32, #tpu.memory_space<vmem>> -> memref<32768xi32, #tpu.memory_space<vmem>>
    %dma_wait3A_135 = tpu.memref_slice %arg2[%mul3A_2] : memref<2097152xi32, #tpu.memory_space<hbm>> -> memref<32768xi32, #tpu.memory_space<hbm>>
    tpu.wait_dma2 semaphore(%arg10 : memref<!tpu.dma_semaphore, #tpu.memory_space<semaphore_mem>>) src(%dma_wait3A_135 : memref<32768xi32, #tpu.memory_space<hbm>>) dst(%dma_wait3A_134 : memref<32768xi32, #tpu.memory_space<vmem>>)
    %parallel_loop3A = arith.constant 0 : i32
    %parallel_loop3A_136 = arith.constant 64 : i32
    %parallel_loop3A_137 = arith.constant 1 : i32
    scf.for %parallel_loop3A_162 = %parallel_loop3A to %parallel_loop3A_136 step %parallel_loop3A_137  : i32 {
      %parallel_loop3A_163 = arith.constant 5 : i32
      %parallel_loop3A_164 = arith.shrsi %parallel_loop3A_162, %parallel_loop3A_163 : i32
      %parallel_loop3A_165 = arith.constant 0 : i32
      %parallel_loop3A_166 = arith.addi %parallel_loop3A_165, %parallel_loop3A_164 : i32
      %parallel_loop3A_167 = arith.constant 3 : i32
      %parallel_loop3A_168 = arith.shrsi %parallel_loop3A_162, %parallel_loop3A_167 : i32
      %parallel_loop3A_169 = arith.constant 3 : i32
      %parallel_loop3A_170 = arith.andi %parallel_loop3A_168, %parallel_loop3A_169 : i32
      %parallel_loop3A_171 = arith.constant 1024 : i32
      %parallel_loop3A_172 = arith.muli %parallel_loop3A_170, %parallel_loop3A_171 : i32
      %parallel_loop3A_173 = arith.constant 7 : i32
      %parallel_loop3A_174 = arith.andi %parallel_loop3A_162, %parallel_loop3A_173 : i32
      %parallel_loop3A_175 = arith.constant 16 : i32
      %parallel_loop3A_176 = arith.muli %parallel_loop3A_174, %parallel_loop3A_175 : i32
      %parallel_loop3A_177 = arith.addi %parallel_loop3A_172, %parallel_loop3A_176 : i32
      %parallel_loop3A_178 = arith.constant 3 : i32
      %parallel_loop3A_179 = arith.shrsi %parallel_loop3A_166, %parallel_loop3A_178 : i32
      %parallel_loop3A_180 = arith.constant 4096 : i32
      %parallel_loop3A_181 = arith.muli %parallel_loop3A_179, %parallel_loop3A_180 : i32
      %parallel_loop3A_182 = arith.constant 7 : i32
      %parallel_loop3A_183 = arith.andi %parallel_loop3A_166, %parallel_loop3A_182 : i32
      %parallel_loop3A_184 = arith.constant 128 : i32
      %parallel_loop3A_185 = arith.muli %parallel_loop3A_183, %parallel_loop3A_184 : i32
      %parallel_loop3A_186 = arith.addi %parallel_loop3A_181, %parallel_loop3A_185 : i32
      %parallel_loop3A_187 = arith.addi %parallel_loop3A_186, %parallel_loop3A_177 : i32
      %parallel_loop3A_188 = arith.index_cast %parallel_loop3A_187 : i32 to index
      %parallel_loop3A_189 = tpu.vector_load %arg6[%parallel_loop3A_188] {strides = array<i32>} : memref<65536xi32, #tpu.memory_space<vmem>>, vector<16xi32>,
      %parallel_loop3A_190 = arith.constant 5 : i32
      %parallel_loop3A_191 = arith.shrsi %parallel_loop3A_162, %parallel_loop3A_190 : i32
      %parallel_loop3A_192 = arith.constant 8192 : i32
      %parallel_loop3A_193 = arith.muli %parallel_loop3A_191, %parallel_loop3A_192 : i32
      %parallel_loop3A_194 = arith.addi %parallel_loop3A_193, %parallel_loop3A_177 : i32
      %parallel_loop3A_195 = vector.shape_cast %parallel_loop3A_189 : vector<16xi32> to vector<16x1xi32>
      %parallel_loop3A_196 = vector.shape_cast %parallel_loop3A_195 : vector<16x1xi32> to vector<16xi32>
      %parallel_loop3A_197 = tpu.dynamic_gather %gather3A[%parallel_loop3A_196] in [0] : vector<16xf32>, vector<16xi32> -> vector<16xf32>
      %parallel_loop3A_198 = arith.constant 0 : i32
      %parallel_loop3A_199 = arith.addi %parallel_loop3A_194, %parallel_loop3A_198 : i32
      %parallel_loop3A_200 = arith.index_cast %parallel_loop3A_199 : i32 to index
      %parallel_loop3A_201 = tpu.vector_load %arg7[%parallel_loop3A_200] {strides = array<i32>} : memref<16384xf32, #tpu.memory_space<vmem>>, vector<16xf32>,
      tpu.vector_store %arg7[%parallel_loop3A_200], %parallel_loop3A_197 {strides = array<i32>} : memref<16384xf32, #tpu.memory_space<vmem>>, vector<16xf32>,
      %parallel_loop3A_202 = vector.shape_cast %parallel_loop3A_189 : vector<16xi32> to vector<16x1xi32>
      %parallel_loop3A_203 = vector.shape_cast %parallel_loop3A_202 : vector<16x1xi32> to vector<16xi32>
      %parallel_loop3A_204 = tpu.dynamic_gather %gather3A_32[%parallel_loop3A_203] in [0] : vector<16xf32>, vector<16xi32> -> vector<16xf32>
      %parallel_loop3A_205 = arith.constant 128 : i32
      %parallel_loop3A_206 = arith.addi %parallel_loop3A_194, %parallel_loop3A_205 : i32
      %parallel_loop3A_207 = arith.index_cast %parallel_loop3A_206 : i32 to index
      %parallel_loop3A_208 = tpu.vector_load %arg7[%parallel_loop3A_207] {strides = array<i32>} : memref<16384xf32, #tpu.memory_space<vmem>>, vector<16xf32>,
      tpu.vector_store %arg7[%parallel_loop3A_207], %parallel_loop3A_204 {strides = array<i32>} : memref<16384xf32, #tpu.memory_space<vmem>>, vector<16xf32>,
      %parallel_loop3A_209 = vector.shape_cast %parallel_loop3A_189 : vector<16xi32> to vector<16x1xi32>
      %parallel_loop3A_210 = vector.shape_cast %parallel_loop3A_209 : vector<16x1xi32> to vector<16xi32>
      %parallel_loop3A_211 = tpu.dynamic_gather %gather3A_39[%parallel_loop3A_210] in [0] : vector<16xf32>, vector<16xi32> -> vector<16xf32>
      %parallel_loop3A_212 = arith.constant 256 : i32
      %parallel_loop3A_213 = arith.addi %parallel_loop3A_194, %parallel_loop3A_212 : i32
      %parallel_loop3A_214 = arith.index_cast %parallel_loop3A_213 : i32 to index
      %parallel_loop3A_215 = tpu.vector_load %arg7[%parallel_loop3A_214] {strides = array<i32>} : memref<16384xf32, #tpu.memory_space<vmem>>, vector<16xf32>,
      tpu.vector_store %arg7[%parallel_loop3A_214], %parallel_loop3A_211 {strides = array<i32>} : memref<16384xf32, #tpu.memory_space<vmem>>, vector<16xf32>,
      %parallel_loop3A_216 = vector.shape_cast %parallel_loop3A_189 : vector<16xi32> to vector<16x1xi32>
      %parallel_loop3A_217 = vector.shape_cast %parallel_loop3A_216 : vector<16x1xi32> to vector<16xi32>
      %parallel_loop3A_218 = tpu.dynamic_gather %gather3A_46[%parallel_loop3A_217] in [0] : vector<16xf32>, vector<16xi32> -> vector<16xf32>
      %parallel_loop3A_219 = arith.constant 384 : i32
      %parallel_loop3A_220 = arith.addi %parallel_loop3A_194, %parallel_loop3A_219 : i32
      %parallel_loop3A_221 = arith.index_cast %parallel_loop3A_220 : i32 to index
      %parallel_loop3A_222 = tpu.vector_load %arg7[%parallel_loop3A_221] {strides = array<i32>} : memref<16384xf32, #tpu.memory_space<vmem>>, vector<16xf32>,
      tpu.vector_store %arg7[%parallel_loop3A_221], %parallel_loop3A_218 {strides = array<i32>} : memref<16384xf32, #tpu.memory_space<vmem>>, vector<16xf32>,
      %parallel_loop3A_223 = vector.shape_cast %parallel_loop3A_189 : vector<16xi32> to vector<16x1xi32>
      %parallel_loop3A_224 = vector.shape_cast %parallel_loop3A_223 : vector<16x1xi32> to vector<16xi32>
      %parallel_loop3A_225 = tpu.dynamic_gather %gather3A_53[%parallel_loop3A_224] in [0] : vector<16xf32>, vector<16xi32> -> vector<16xf32>
      %parallel_loop3A_226 = arith.constant 512 : i32
      %parallel_loop3A_227 = arith.addi %parallel_loop3A_194, %parallel_loop3A_226 : i32
      %parallel_loop3A_228 = arith.index_cast %parallel_loop3A_227 : i32 to index
      %parallel_loop3A_229 = tpu.vector_load %arg7[%parallel_loop3A_228] {strides = array<i32>} : memref<16384xf32, #tpu.memory_space<vmem>>, vector<16xf32>,
      tpu.vector_store %arg7[%parallel_loop3A_228], %parallel_loop3A_225 {strides = array<i32>} : memref<16384xf32, #tpu.memory_space<vmem>>, vector<16xf32>,
      %parallel_loop3A_230 = vector.shape_cast %parallel_loop3A_189 : vector<16xi32> to vector<16x1xi32>
      %parallel_loop3A_231 = vector.shape_cast %parallel_loop3A_230 : vector<16x1xi32> to vector<16xi32>
      %parallel_loop3A_232 = tpu.dynamic_gather %gather3A_60[%parallel_loop3A_231] in [0] : vector<16xf32>, vector<16xi32> -> vector<16xf32>
      %parallel_loop3A_233 = arith.constant 640 : i32
      %parallel_loop3A_234 = arith.addi %parallel_loop3A_194, %parallel_loop3A_233 : i32
      %parallel_loop3A_235 = arith.index_cast %parallel_loop3A_234 : i32 to index
      %parallel_loop3A_236 = tpu.vector_load %arg7[%parallel_loop3A_235] {strides = array<i32>} : memref<16384xf32, #tpu.memory_space<vmem>>, vector<16xf32>,
      tpu.vector_store %arg7[%parallel_loop3A_235], %parallel_loop3A_232 {strides = array<i32>} : memref<16384xf32, #tpu.memory_space<vmem>>, vector<16xf32>,
      %parallel_loop3A_237 = vector.shape_cast %parallel_loop3A_189 : vector<16xi32> to vector<16x1xi32>
      %parallel_loop3A_238 = vector.shape_cast %parallel_loop3A_237 : vector<16x1xi32> to vector<16xi32>
      %parallel_loop3A_239 = tpu.dynamic_gather %gather3A_67[%parallel_loop3A_238] in [0] : vector<16xf32>, vector<16xi32> -> vector<16xf32>
      %parallel_loop3A_240 = arith.constant 768 : i32
      %parallel_loop3A_241 = arith.addi %parallel_loop3A_194, %parallel_loop3A_240 : i32
      %parallel_loop3A_242 = arith.index_cast %parallel_loop3A_241 : i32 to index
      %parallel_loop3A_243 = tpu.vector_load %arg7[%parallel_loop3A_242] {strides = array<i32>} : memref<16384xf32, #tpu.memory_space<vmem>>, vector<16xf32>,
      tpu.vector_store %arg7[%parallel_loop3A_242], %parallel_loop3A_239 {strides = array<i32>} : memref<16384xf32, #tpu.memory_space<vmem>>, vector<16xf32>,
      %parallel_loop3A_244 = vector.shape_cast %parallel_loop3A_189 : vector<16xi32> to vector<16x1xi32>
      %parallel_loop3A_245 = vector.shape_cast %parallel_loop3A_244 : vector<16x1xi32> to vector<16xi32>
      %parallel_loop3A_246 = tpu.dynamic_gather %gather3A_74[%parallel_loop3A_245] in [0] : vector<16xf32>, vector<16xi32> -> vector<16xf32>
      %parallel_loop3A_247 = arith.constant 896 : i32
      %parallel_loop3A_248 = arith.addi %parallel_loop3A_194, %parallel_loop3A_247 : i32
      %parallel_loop3A_249 = arith.index_cast %parallel_loop3A_248 : i32 to index
      %parallel_loop3A_250 = tpu.vector_load %arg7[%parallel_loop3A_249] {strides = array<i32>} : memref<16384xf32, #tpu.memory_space<vmem>>, vector<16xf32>,
      tpu.vector_store %arg7[%parallel_loop3A_249], %parallel_loop3A_246 {strides = array<i32>} : memref<16384xf32, #tpu.memory_space<vmem>>, vector<16xf32>,
      %parallel_loop3A_251 = vector.shape_cast %parallel_loop3A_189 : vector<16xi32> to vector<16x1xi32>
      %parallel_loop3A_252 = vector.shape_cast %parallel_loop3A_251 : vector<16x1xi32> to vector<16xi32>
      %parallel_loop3A_253 = tpu.dynamic_gather %gather3A_81[%parallel_loop3A_252] in [0] : vector<16xf32>, vector<16xi32> -> vector<16xf32>
      %parallel_loop3A_254 = arith.constant 4096 : i32
      %parallel_loop3A_255 = arith.addi %parallel_loop3A_194, %parallel_loop3A_254 : i32
      %parallel_loop3A_256 = arith.index_cast %parallel_loop3A_255 : i32 to index
      %parallel_loop3A_257 = tpu.vector_load %arg7[%parallel_loop3A_256] {strides = array<i32>} : memref<16384xf32, #tpu.memory_space<vmem>>, vector<16xf32>,
      tpu.vector_store %arg7[%parallel_loop3A_256], %parallel_loop3A_253 {strides = array<i32>} : memref<16384xf32, #tpu.memory_space<vmem>>, vector<16xf32>,
      %parallel_loop3A_258 = vector.shape_cast %parallel_loop3A_189 : vector<16xi32> to vector<16x1xi32>
      %parallel_loop3A_259 = vector.shape_cast %parallel_loop3A_258 : vector<16x1xi32> to vector<16xi32>
      %parallel_loop3A_260 = tpu.dynamic_gather %gather3A_88[%parallel_loop3A_259] in [0] : vector<16xf32>, vector<16xi32> -> vector<16xf32>
      %parallel_loop3A_261 = arith.constant 4224 : i32
      %parallel_loop3A_262 = arith.addi %parallel_loop3A_194, %parallel_loop3A_261 : i32
      %parallel_loop3A_263 = arith.index_cast %parallel_loop3A_262 : i32 to index
      %parallel_loop3A_264 = tpu.vector_load %arg7[%parallel_loop3A_263] {strides = array<i32>} : memref<16384xf32, #tpu.memory_space<vmem>>, vector<16xf32>,
      tpu.vector_store %arg7[%parallel_loop3A_263], %parallel_loop3A_260 {strides = array<i32>} : memref<16384xf32, #tpu.memory_space<vmem>>, vector<16xf32>,
      %parallel_loop3A_265 = vector.shape_cast %parallel_loop3A_189 : vector<16xi32> to vector<16x1xi32>
      %parallel_loop3A_266 = vector.shape_cast %parallel_loop3A_265 : vector<16x1xi32> to vector<16xi32>
      %parallel_loop3A_267 = tpu.dynamic_gather %gather3A_95[%parallel_loop3A_266] in [0] : vector<16xf32>, vector<16xi32> -> vector<16xf32>
      %parallel_loop3A_268 = arith.constant 4352 : i32
      %parallel_loop3A_269 = arith.addi %parallel_loop3A_194, %parallel_loop3A_268 : i32
      %parallel_loop3A_270 = arith.index_cast %parallel_loop3A_269 : i32 to index
      %parallel_loop3A_271 = tpu.vector_load %arg7[%parallel_loop3A_270] {strides = array<i32>} : memref<16384xf32, #tpu.memory_space<vmem>>, vector<16xf32>,
      tpu.vector_store %arg7[%parallel_loop3A_270], %parallel_loop3A_267 {strides = array<i32>} : memref<16384xf32, #tpu.memory_space<vmem>>, vector<16xf32>,
      %parallel_loop3A_272 = vector.shape_cast %parallel_loop3A_189 : vector<16xi32> to vector<16x1xi32>
      %parallel_loop3A_273 = vector.shape_cast %parallel_loop3A_272 : vector<16x1xi32> to vector<16xi32>
      %parallel_loop3A_274 = tpu.dynamic_gather %gather3A_102[%parallel_loop3A_273] in [0] : vector<16xf32>, vector<16xi32> -> vector<16xf32>
      %parallel_loop3A_275 = arith.constant 4480 : i32
      %parallel_loop3A_276 = arith.addi %parallel_loop3A_194, %parallel_loop3A_275 : i32
      %parallel_loop3A_277 = arith.index_cast %parallel_loop3A_276 : i32 to index
      %parallel_loop3A_278 = tpu.vector_load %arg7[%parallel_loop3A_277] {strides = array<i32>} : memref<16384xf32, #tpu.memory_space<vmem>>, vector<16xf32>,
      tpu.vector_store %arg7[%parallel_loop3A_277], %parallel_loop3A_274 {strides = array<i32>} : memref<16384xf32, #tpu.memory_space<vmem>>, vector<16xf32>,
      %parallel_loop3A_279 = vector.shape_cast %parallel_loop3A_189 : vector<16xi32> to vector<16x1xi32>
      %parallel_loop3A_280 = vector.shape_cast %parallel_loop3A_279 : vector<16x1xi32> to vector<16xi32>
      %parallel_loop3A_281 = tpu.dynamic_gather %gather3A_109[%parallel_loop3A_280] in [0] : vector<16xf32>, vector<16xi32> -> vector<16xf32>
      %parallel_loop3A_282 = arith.constant 4608 : i32
      %parallel_loop3A_283 = arith.addi %parallel_loop3A_194, %parallel_loop3A_282 : i32
      %parallel_loop3A_284 = arith.index_cast %parallel_loop3A_283 : i32 to index
      %parallel_loop3A_285 = tpu.vector_load %arg7[%parallel_loop3A_284] {strides = array<i32>} : memref<16384xf32, #tpu.memory_space<vmem>>, vector<16xf32>,
      tpu.vector_store %arg7[%parallel_loop3A_284], %parallel_loop3A_281 {strides = array<i32>} : memref<16384xf32, #tpu.memory_space<vmem>>, vector<16xf32>,
      %parallel_loop3A_286 = vector.shape_cast %parallel_loop3A_189 : vector<16xi32> to vector<16x1xi32>
      %parallel_loop3A_287 = vector.shape_cast %parallel_loop3A_286 : vector<16x1xi32> to vector<16xi32>
      %parallel_loop3A_288 = tpu.dynamic_gather %gather3A_116[%parallel_loop3A_287] in [0] : vector<16xf32>, vector<16xi32> -> vector<16xf32>
      %parallel_loop3A_289 = arith.constant 4736 : i32
      %parallel_loop3A_290 = arith.addi %parallel_loop3A_194, %parallel_loop3A_289 : i32
      %parallel_loop3A_291 = arith.index_cast %parallel_loop3A_290 : i32 to index
      %parallel_loop3A_292 = tpu.vector_load %arg7[%parallel_loop3A_291] {strides = array<i32>} : memref<16384xf32, #tpu.memory_space<vmem>>, vector<16xf32>,
      tpu.vector_store %arg7[%parallel_loop3A_291], %parallel_loop3A_288 {strides = array<i32>} : memref<16384xf32, #tpu.memory_space<vmem>>, vector<16xf32>,
      %parallel_loop3A_293 = vector.shape_cast %parallel_loop3A_189 : vector<16xi32> to vector<16x1xi32>
      %parallel_loop3A_294 = vector.shape_cast %parallel_loop3A_293 : vector<16x1xi32> to vector<16xi32>
      %parallel_loop3A_295 = tpu.dynamic_gather %gather3A_123[%parallel_loop3A_294] in [0] : vector<16xf32>, vector<16xi32> -> vector<16xf32>
      %parallel_loop3A_296 = arith.constant 4864 : i32
      %parallel_loop3A_297 = arith.addi %parallel_loop3A_194, %parallel_loop3A_296 : i32
      %parallel_loop3A_298 = arith.index_cast %parallel_loop3A_297 : i32 to index
      %parallel_loop3A_299 = tpu.vector_load %arg7[%parallel_loop3A_298] {strides = array<i32>} : memref<16384xf32, #tpu.memory_space<vmem>>, vector<16xf32>,
      tpu.vector_store %arg7[%parallel_loop3A_298], %parallel_loop3A_295 {strides = array<i32>} : memref<16384xf32, #tpu.memory_space<vmem>>, vector<16xf32>,
      %parallel_loop3A_300 = vector.shape_cast %parallel_loop3A_189 : vector<16xi32> to vector<16x1xi32>
      %parallel_loop3A_301 = vector.shape_cast %parallel_loop3A_300 : vector<16x1xi32> to vector<16xi32>
      %parallel_loop3A_302 = tpu.dynamic_gather %gather3A_130[%parallel_loop3A_301] in [0] : vector<16xf32>, vector<16xi32> -> vector<16xf32>
      %parallel_loop3A_303 = arith.constant 4992 : i32
      %parallel_loop3A_304 = arith.addi %parallel_loop3A_194, %parallel_loop3A_303 : i32
      %parallel_loop3A_305 = arith.index_cast %parallel_loop3A_304 : i32 to index
      %parallel_loop3A_306 = tpu.vector_load %arg7[%parallel_loop3A_305] {strides = array<i32>} : memref<16384xf32, #tpu.memory_space<vmem>>, vector<16xf32>,
      tpu.vector_store %arg7[%parallel_loop3A_305], %parallel_loop3A_302 {strides = array<i32>} : memref<16384xf32, #tpu.memory_space<vmem>>, vector<16xf32>,
    } {sc.loop_unroll_factor = 1 : i64, sc.parallel_access}
    %add3A_138 = arith.constant 0 : i32
    %add3A_139 = arith.addi %mul3A_6, %add3A_138 : i32
    %dma_start3A_140 = tpu.memref_slice %arg4[%add3A_139] : memref<33554432xf32, #tpu.memory_space<hbm>> -> memref<16384xf32, #tpu.memory_space<hbm>>
    %dma_start3A_141 = tpu.memref_slice %arg4[%add3A_139] : memref<33554432xf32, #tpu.memory_space<hbm>> -> memref<16384xf32, #tpu.memory_space<hbm>>
    tpu.enqueue_dma source(%arg7 : memref<16384xf32, #tpu.memory_space<vmem>>) target(%dma_start3A_141 : memref<16384xf32, #tpu.memory_space<hbm>>) target_semaphore(%arg12 : memref<!tpu.dma_semaphore, #tpu.memory_space<semaphore_mem>>)
    %parallel_loop3A_142 = arith.constant 0 : i32
    %parallel_loop3A_143 = arith.constant 64 : i32
    %parallel_loop3A_144 = arith.constant 1 : i32
    scf.for %parallel_loop3A_162 = %parallel_loop3A_142 to %parallel_loop3A_143 step %parallel_loop3A_144  : i32 {
      %parallel_loop3A_163 = arith.constant 5 : i32
      %parallel_loop3A_164 = arith.shrsi %parallel_loop3A_162, %parallel_loop3A_163 : i32
      %parallel_loop3A_165 = arith.constant 2 : i32
      %parallel_loop3A_166 = arith.addi %parallel_loop3A_165, %parallel_loop3A_164 : i32
      %parallel_loop3A_167 = arith.constant 3 : i32
      %parallel_loop3A_168 = arith.shrsi %parallel_loop3A_162, %parallel_loop3A_167 : i32
      %parallel_loop3A_169 = arith.constant 3 : i32
      %parallel_loop3A_170 = arith.andi %parallel_loop3A_168, %parallel_loop3A_169 : i32
      %parallel_loop3A_171 = arith.constant 1024 : i32
      %parallel_loop3A_172 = arith.muli %parallel_loop3A_170, %parallel_loop3A_171 : i32
      %parallel_loop3A_173 = arith.constant 7 : i32
      %parallel_loop3A_174 = arith.andi %parallel_loop3A_162, %parallel_loop3A_173 : i32
      %parallel_loop3A_175 = arith.constant 16 : i32
      %parallel_loop3A_176 = arith.muli %parallel_loop3A_174, %parallel_loop3A_175 : i32
      %parallel_loop3A_177 = arith.addi %parallel_loop3A_172, %parallel_loop3A_176 : i32
      %parallel_loop3A_178 = arith.constant 3 : i32
      %parallel_loop3A_179 = arith.shrsi %parallel_loop3A_166, %parallel_loop3A_178 : i32
      %parallel_loop3A_180 = arith.constant 4096 : i32
      %parallel_loop3A_181 = arith.muli %parallel_loop3A_179, %parallel_loop3A_180 : i32
      %parallel_loop3A_182 = arith.constant 7 : i32
      %parallel_loop3A_183 = arith.andi %parallel_loop3A_166, %parallel_loop3A_182 : i32
      %parallel_loop3A_184 = arith.constant 128 : i32
      %parallel_loop3A_185 = arith.muli %parallel_loop3A_183, %parallel_loop3A_184 : i32
      %parallel_loop3A_186 = arith.addi %parallel_loop3A_181, %parallel_loop3A_185 : i32
      %parallel_loop3A_187 = arith.addi %parallel_loop3A_186, %parallel_loop3A_177 : i32
      %parallel_loop3A_188 = arith.index_cast %parallel_loop3A_187 : i32 to index
      %parallel_loop3A_189 = tpu.vector_load %arg6[%parallel_loop3A_188] {strides = array<i32>} : memref<65536xi32, #tpu.memory_space<vmem>>, vector<16xi32>,
      %parallel_loop3A_190 = arith.constant 5 : i32
      %parallel_loop3A_191 = arith.shrsi %parallel_loop3A_162, %parallel_loop3A_190 : i32
      %parallel_loop3A_192 = arith.constant 8192 : i32
      %parallel_loop3A_193 = arith.muli %parallel_loop3A_191, %parallel_loop3A_192 : i32
      %parallel_loop3A_194 = arith.addi %parallel_loop3A_193, %parallel_loop3A_177 : i32
      %parallel_loop3A_195 = vector.shape_cast %parallel_loop3A_189 : vector<16xi32> to vector<16x1xi32>
      %parallel_loop3A_196 = vector.shape_cast %parallel_loop3A_195 : vector<16x1xi32> to vector<16xi32>
      %parallel_loop3A_197 = tpu.dynamic_gather %gather3A[%parallel_loop3A_196] in [0] : vector<16xf32>, vector<16xi32> -> vector<16xf32>
      %parallel_loop3A_198 = arith.constant 0 : i32
      %parallel_loop3A_199 = arith.addi %parallel_loop3A_194, %parallel_loop3A_198 : i32
      %parallel_loop3A_200 = arith.index_cast %parallel_loop3A_199 : i32 to index
      %parallel_loop3A_201 = tpu.vector_load %arg8[%parallel_loop3A_200] {strides = array<i32>} : memref<16384xf32, #tpu.memory_space<vmem>>, vector<16xf32>,
      tpu.vector_store %arg8[%parallel_loop3A_200], %parallel_loop3A_197 {strides = array<i32>} : memref<16384xf32, #tpu.memory_space<vmem>>, vector<16xf32>,
      %parallel_loop3A_202 = vector.shape_cast %parallel_loop3A_189 : vector<16xi32> to vector<16x1xi32>
      %parallel_loop3A_203 = vector.shape_cast %parallel_loop3A_202 : vector<16x1xi32> to vector<16xi32>
      %parallel_loop3A_204 = tpu.dynamic_gather %gather3A_32[%parallel_loop3A_203] in [0] : vector<16xf32>, vector<16xi32> -> vector<16xf32>
      %parallel_loop3A_205 = arith.constant 128 : i32
      %parallel_loop3A_206 = arith.addi %parallel_loop3A_194, %parallel_loop3A_205 : i32
      %parallel_loop3A_207 = arith.index_cast %parallel_loop3A_206 : i32 to index
      %parallel_loop3A_208 = tpu.vector_load %arg8[%parallel_loop3A_207] {strides = array<i32>} : memref<16384xf32, #tpu.memory_space<vmem>>, vector<16xf32>,
      tpu.vector_store %arg8[%parallel_loop3A_207], %parallel_loop3A_204 {strides = array<i32>} : memref<16384xf32, #tpu.memory_space<vmem>>, vector<16xf32>,
      %parallel_loop3A_209 = vector.shape_cast %parallel_loop3A_189 : vector<16xi32> to vector<16x1xi32>
      %parallel_loop3A_210 = vector.shape_cast %parallel_loop3A_209 : vector<16x1xi32> to vector<16xi32>
      %parallel_loop3A_211 = tpu.dynamic_gather %gather3A_39[%parallel_loop3A_210] in [0] : vector<16xf32>, vector<16xi32> -> vector<16xf32>
      %parallel_loop3A_212 = arith.constant 256 : i32
      %parallel_loop3A_213 = arith.addi %parallel_loop3A_194, %parallel_loop3A_212 : i32
      %parallel_loop3A_214 = arith.index_cast %parallel_loop3A_213 : i32 to index
      %parallel_loop3A_215 = tpu.vector_load %arg8[%parallel_loop3A_214] {strides = array<i32>} : memref<16384xf32, #tpu.memory_space<vmem>>, vector<16xf32>,
      tpu.vector_store %arg8[%parallel_loop3A_214], %parallel_loop3A_211 {strides = array<i32>} : memref<16384xf32, #tpu.memory_space<vmem>>, vector<16xf32>,
      %parallel_loop3A_216 = vector.shape_cast %parallel_loop3A_189 : vector<16xi32> to vector<16x1xi32>
      %parallel_loop3A_217 = vector.shape_cast %parallel_loop3A_216 : vector<16x1xi32> to vector<16xi32>
      %parallel_loop3A_218 = tpu.dynamic_gather %gather3A_46[%parallel_loop3A_217] in [0] : vector<16xf32>, vector<16xi32> -> vector<16xf32>
      %parallel_loop3A_219 = arith.constant 384 : i32
      %parallel_loop3A_220 = arith.addi %parallel_loop3A_194, %parallel_loop3A_219 : i32
      %parallel_loop3A_221 = arith.index_cast %parallel_loop3A_220 : i32 to index
      %parallel_loop3A_222 = tpu.vector_load %arg8[%parallel_loop3A_221] {strides = array<i32>} : memref<16384xf32, #tpu.memory_space<vmem>>, vector<16xf32>,
      tpu.vector_store %arg8[%parallel_loop3A_221], %parallel_loop3A_218 {strides = array<i32>} : memref<16384xf32, #tpu.memory_space<vmem>>, vector<16xf32>,
      %parallel_loop3A_223 = vector.shape_cast %parallel_loop3A_189 : vector<16xi32> to vector<16x1xi32>
      %parallel_loop3A_224 = vector.shape_cast %parallel_loop3A_223 : vector<16x1xi32> to vector<16xi32>
      %parallel_loop3A_225 = tpu.dynamic_gather %gather3A_53[%parallel_loop3A_224] in [0] : vector<16xf32>, vector<16xi32> -> vector<16xf32>
      %parallel_loop3A_226 = arith.constant 512 : i32
      %parallel_loop3A_227 = arith.addi %parallel_loop3A_194, %parallel_loop3A_226 : i32
      %parallel_loop3A_228 = arith.index_cast %parallel_loop3A_227 : i32 to index
      %parallel_loop3A_229 = tpu.vector_load %arg8[%parallel_loop3A_228] {strides = array<i32>} : memref<16384xf32, #tpu.memory_space<vmem>>, vector<16xf32>,
      tpu.vector_store %arg8[%parallel_loop3A_228], %parallel_loop3A_225 {strides = array<i32>} : memref<16384xf32, #tpu.memory_space<vmem>>, vector<16xf32>,
      %parallel_loop3A_230 = vector.shape_cast %parallel_loop3A_189 : vector<16xi32> to vector<16x1xi32>
      %parallel_loop3A_231 = vector.shape_cast %parallel_loop3A_230 : vector<16x1xi32> to vector<16xi32>
      %parallel_loop3A_232 = tpu.dynamic_gather %gather3A_60[%parallel_loop3A_231] in [0] : vector<16xf32>, vector<16xi32> -> vector<16xf32>
      %parallel_loop3A_233 = arith.constant 640 : i32
      %parallel_loop3A_234 = arith.addi %parallel_loop3A_194, %parallel_loop3A_233 : i32
      %parallel_loop3A_235 = arith.index_cast %parallel_loop3A_234 : i32 to index
      %parallel_loop3A_236 = tpu.vector_load %arg8[%parallel_loop3A_235] {strides = array<i32>} : memref<16384xf32, #tpu.memory_space<vmem>>, vector<16xf32>,
      tpu.vector_store %arg8[%parallel_loop3A_235], %parallel_loop3A_232 {strides = array<i32>} : memref<16384xf32, #tpu.memory_space<vmem>>, vector<16xf32>,
      %parallel_loop3A_237 = vector.shape_cast %parallel_loop3A_189 : vector<16xi32> to vector<16x1xi32>
      %parallel_loop3A_238 = vector.shape_cast %parallel_loop3A_237 : vector<16x1xi32> to vector<16xi32>
      %parallel_loop3A_239 = tpu.dynamic_gather %gather3A_67[%parallel_loop3A_238] in [0] : vector<16xf32>, vector<16xi32> -> vector<16xf32>
      %parallel_loop3A_240 = arith.constant 768 : i32
      %parallel_loop3A_241 = arith.addi %parallel_loop3A_194, %parallel_loop3A_240 : i32
      %parallel_loop3A_242 = arith.index_cast %parallel_loop3A_241 : i32 to index
      %parallel_loop3A_243 = tpu.vector_load %arg8[%parallel_loop3A_242] {strides = array<i32>} : memref<16384xf32, #tpu.memory_space<vmem>>, vector<16xf32>,
      tpu.vector_store %arg8[%parallel_loop3A_242], %parallel_loop3A_239 {strides = array<i32>} : memref<16384xf32, #tpu.memory_space<vmem>>, vector<16xf32>,
      %parallel_loop3A_244 = vector.shape_cast %parallel_loop3A_189 : vector<16xi32> to vector<16x1xi32>
      %parallel_loop3A_245 = vector.shape_cast %parallel_loop3A_244 : vector<16x1xi32> to vector<16xi32>
      %parallel_loop3A_246 = tpu.dynamic_gather %gather3A_74[%parallel_loop3A_245] in [0] : vector<16xf32>, vector<16xi32> -> vector<16xf32>
      %parallel_loop3A_247 = arith.constant 896 : i32
      %parallel_loop3A_248 = arith.addi %parallel_loop3A_194, %parallel_loop3A_247 : i32
      %parallel_loop3A_249 = arith.index_cast %parallel_loop3A_248 : i32 to index
      %parallel_loop3A_250 = tpu.vector_load %arg8[%parallel_loop3A_249] {strides = array<i32>} : memref<16384xf32, #tpu.memory_space<vmem>>, vector<16xf32>,
      tpu.vector_store %arg8[%parallel_loop3A_249], %parallel_loop3A_246 {strides = array<i32>} : memref<16384xf32, #tpu.memory_space<vmem>>, vector<16xf32>,
      %parallel_loop3A_251 = vector.shape_cast %parallel_loop3A_189 : vector<16xi32> to vector<16x1xi32>
      %parallel_loop3A_252 = vector.shape_cast %parallel_loop3A_251 : vector<16x1xi32> to vector<16xi32>
      %parallel_loop3A_253 = tpu.dynamic_gather %gather3A_81[%parallel_loop3A_252] in [0] : vector<16xf32>, vector<16xi32> -> vector<16xf32>
      %parallel_loop3A_254 = arith.constant 4096 : i32
      %parallel_loop3A_255 = arith.addi %parallel_loop3A_194, %parallel_loop3A_254 : i32
      %parallel_loop3A_256 = arith.index_cast %parallel_loop3A_255 : i32 to index
      %parallel_loop3A_257 = tpu.vector_load %arg8[%parallel_loop3A_256] {strides = array<i32>} : memref<16384xf32, #tpu.memory_space<vmem>>, vector<16xf32>,
      tpu.vector_store %arg8[%parallel_loop3A_256], %parallel_loop3A_253 {strides = array<i32>} : memref<16384xf32, #tpu.memory_space<vmem>>, vector<16xf32>,
      %parallel_loop3A_258 = vector.shape_cast %parallel_loop3A_189 : vector<16xi32> to vector<16x1xi32>
      %parallel_loop3A_259 = vector.shape_cast %parallel_loop3A_258 : vector<16x1xi32> to vector<16xi32>
      %parallel_loop3A_260 = tpu.dynamic_gather %gather3A_88[%parallel_loop3A_259] in [0] : vector<16xf32>, vector<16xi32> -> vector<16xf32>
      %parallel_loop3A_261 = arith.constant 4224 : i32
      %parallel_loop3A_262 = arith.addi %parallel_loop3A_194, %parallel_loop3A_261 : i32
      %parallel_loop3A_263 = arith.index_cast %parallel_loop3A_262 : i32 to index
      %parallel_loop3A_264 = tpu.vector_load %arg8[%parallel_loop3A_263] {strides = array<i32>} : memref<16384xf32, #tpu.memory_space<vmem>>, vector<16xf32>,
      tpu.vector_store %arg8[%parallel_loop3A_263], %parallel_loop3A_260 {strides = array<i32>} : memref<16384xf32, #tpu.memory_space<vmem>>, vector<16xf32>,
      %parallel_loop3A_265 = vector.shape_cast %parallel_loop3A_189 : vector<16xi32> to vector<16x1xi32>
      %parallel_loop3A_266 = vector.shape_cast %parallel_loop3A_265 : vector<16x1xi32> to vector<16xi32>
      %parallel_loop3A_267 = tpu.dynamic_gather %gather3A_95[%parallel_loop3A_266] in [0] : vector<16xf32>, vector<16xi32> -> vector<16xf32>
      %parallel_loop3A_268 = arith.constant 4352 : i32
      %parallel_loop3A_269 = arith.addi %parallel_loop3A_194, %parallel_loop3A_268 : i32
      %parallel_loop3A_270 = arith.index_cast %parallel_loop3A_269 : i32 to index
      %parallel_loop3A_271 = tpu.vector_load %arg8[%parallel_loop3A_270] {strides = array<i32>} : memref<16384xf32, #tpu.memory_space<vmem>>, vector<16xf32>,
      tpu.vector_store %arg8[%parallel_loop3A_270], %parallel_loop3A_267 {strides = array<i32>} : memref<16384xf32, #tpu.memory_space<vmem>>, vector<16xf32>,
      %parallel_loop3A_272 = vector.shape_cast %parallel_loop3A_189 : vector<16xi32> to vector<16x1xi32>
      %parallel_loop3A_273 = vector.shape_cast %parallel_loop3A_272 : vector<16x1xi32> to vector<16xi32>
      %parallel_loop3A_274 = tpu.dynamic_gather %gather3A_102[%parallel_loop3A_273] in [0] : vector<16xf32>, vector<16xi32> -> vector<16xf32>
      %parallel_loop3A_275 = arith.constant 4480 : i32
      %parallel_loop3A_276 = arith.addi %parallel_loop3A_194, %parallel_loop3A_275 : i32
      %parallel_loop3A_277 = arith.index_cast %parallel_loop3A_276 : i32 to index
      %parallel_loop3A_278 = tpu.vector_load %arg8[%parallel_loop3A_277] {strides = array<i32>} : memref<16384xf32, #tpu.memory_space<vmem>>, vector<16xf32>,
      tpu.vector_store %arg8[%parallel_loop3A_277], %parallel_loop3A_274 {strides = array<i32>} : memref<16384xf32, #tpu.memory_space<vmem>>, vector<16xf32>,
      %parallel_loop3A_279 = vector.shape_cast %parallel_loop3A_189 : vector<16xi32> to vector<16x1xi32>
      %parallel_loop3A_280 = vector.shape_cast %parallel_loop3A_279 : vector<16x1xi32> to vector<16xi32>
      %parallel_loop3A_281 = tpu.dynamic_gather %gather3A_109[%parallel_loop3A_280] in [0] : vector<16xf32>, vector<16xi32> -> vector<16xf32>
      %parallel_loop3A_282 = arith.constant 4608 : i32
      %parallel_loop3A_283 = arith.addi %parallel_loop3A_194, %parallel_loop3A_282 : i32
      %parallel_loop3A_284 = arith.index_cast %parallel_loop3A_283 : i32 to index
      %parallel_loop3A_285 = tpu.vector_load %arg8[%parallel_loop3A_284] {strides = array<i32>} : memref<16384xf32, #tpu.memory_space<vmem>>, vector<16xf32>,
      tpu.vector_store %arg8[%parallel_loop3A_284], %parallel_loop3A_281 {strides = array<i32>} : memref<16384xf32, #tpu.memory_space<vmem>>, vector<16xf32>,
      %parallel_loop3A_286 = vector.shape_cast %parallel_loop3A_189 : vector<16xi32> to vector<16x1xi32>
      %parallel_loop3A_287 = vector.shape_cast %parallel_loop3A_286 : vector<16x1xi32> to vector<16xi32>
      %parallel_loop3A_288 = tpu.dynamic_gather %gather3A_116[%parallel_loop3A_287] in [0] : vector<16xf32>, vector<16xi32> -> vector<16xf32>
      %parallel_loop3A_289 = arith.constant 4736 : i32
      %parallel_loop3A_290 = arith.addi %parallel_loop3A_194, %parallel_loop3A_289 : i32
      %parallel_loop3A_291 = arith.index_cast %parallel_loop3A_290 : i32 to index
      %parallel_loop3A_292 = tpu.vector_load %arg8[%parallel_loop3A_291] {strides = array<i32>} : memref<16384xf32, #tpu.memory_space<vmem>>, vector<16xf32>,
      tpu.vector_store %arg8[%parallel_loop3A_291], %parallel_loop3A_288 {strides = array<i32>} : memref<16384xf32, #tpu.memory_space<vmem>>, vector<16xf32>,
      %parallel_loop3A_293 = vector.shape_cast %parallel_loop3A_189 : vector<16xi32> to vector<16x1xi32>
      %parallel_loop3A_294 = vector.shape_cast %parallel_loop3A_293 : vector<16x1xi32> to vector<16xi32>
      %parallel_loop3A_295 = tpu.dynamic_gather %gather3A_123[%parallel_loop3A_294] in [0] : vector<16xf32>, vector<16xi32> -> vector<16xf32>
      %parallel_loop3A_296 = arith.constant 4864 : i32
      %parallel_loop3A_297 = arith.addi %parallel_loop3A_194, %parallel_loop3A_296 : i32
      %parallel_loop3A_298 = arith.index_cast %parallel_loop3A_297 : i32 to index
      %parallel_loop3A_299 = tpu.vector_load %arg8[%parallel_loop3A_298] {strides = array<i32>} : memref<16384xf32, #tpu.memory_space<vmem>>, vector<16xf32>,
      tpu.vector_store %arg8[%parallel_loop3A_298], %parallel_loop3A_295 {strides = array<i32>} : memref<16384xf32, #tpu.memory_space<vmem>>, vector<16xf32>,
      %parallel_loop3A_300 = vector.shape_cast %parallel_loop3A_189 : vector<16xi32> to vector<16x1xi32>
      %parallel_loop3A_301 = vector.shape_cast %parallel_loop3A_300 : vector<16x1xi32> to vector<16xi32>
      %parallel_loop3A_302 = tpu.dynamic_gather %gather3A_130[%parallel_loop3A_301] in [0] : vector<16xf32>, vector<16xi32> -> vector<16xf32>
      %parallel_loop3A_303 = arith.constant 4992 : i32
      %parallel_loop3A_304 = arith.addi %parallel_loop3A_194, %parallel_loop3A_303 : i32
      %parallel_loop3A_305 = arith.index_cast %parallel_loop3A_304 : i32 to index
      %parallel_loop3A_306 = tpu.vector_load %arg8[%parallel_loop3A_305] {strides = array<i32>} : memref<16384xf32, #tpu.memory_space<vmem>>, vector<16xf32>,
      tpu.vector_store %arg8[%parallel_loop3A_305], %parallel_loop3A_302 {strides = array<i32>} : memref<16384xf32, #tpu.memory_space<vmem>>, vector<16xf32>,
    } {sc.loop_unroll_factor = 1 : i64, sc.parallel_access}
    %add3A_145 = arith.constant 16384 : i32
    %add3A_146 = arith.addi %mul3A_6, %add3A_145 : i32
    %dma_start3A_147 = tpu.memref_slice %arg4[%add3A_146] : memref<33554432xf32, #tpu.memory_space<hbm>> -> memref<16384xf32, #tpu.memory_space<hbm>>
    %dma_start3A_148 = tpu.memref_slice %arg4[%add3A_146] : memref<33554432xf32, #tpu.memory_space<hbm>> -> memref<16384xf32, #tpu.memory_space<hbm>>
    tpu.enqueue_dma source(%arg8 : memref<16384xf32, #tpu.memory_space<vmem>>) target(%dma_start3A_148 : memref<16384xf32, #tpu.memory_space<hbm>>) target_semaphore(%arg13 : memref<!tpu.dma_semaphore, #tpu.memory_space<semaphore_mem>>)
    %scan3A = arith.constant 0 : i32
    %scan3A_149 = arith.constant 1 : i32
    %scan3A_150 = arith.constant 31 : i32
    %scan3A_151 = arith.addi %scan3A_149, %scan3A_150 : i32
    %scan3A_152 = arith.constant 1 : i32
    scf.for %scan3A_162 = %scan3A_149 to %scan3A_151 step %scan3A_152  : i32 {
      %mul3A_163 = arith.constant 2 : i32
      %mul3A_164 = arith.muli %scan3A_162, %mul3A_163 : i32
      %eq3A = arith.constant 16 : i32
      %eq3A_165 = arith.cmpi eq, %scan3A_162, %eq3A : i32
      %convert_element_type3A = arith.extui %eq3A_165 : i1 to i32
      %cond3A = arith.constant 0 : i32
      %cond3A_166 = arith.cmpi ne, %convert_element_type3A, %cond3A : i32
      scf.if %cond3A_166 {
        %dma_wait3A_195 = arith.constant 32768 : i32
        %dma_wait3A_196 = tpu.memref_slice %arg6[%dma_wait3A_195] : memref<65536xi32, #tpu.memory_space<vmem>> -> memref<32768xi32, #tpu.memory_space<vmem>>
        %dma_wait3A_197 = arith.constant 0 : i32
        %dma_wait3A_198 = tpu.memref_slice %arg2[%dma_wait3A_197] : memref<2097152xi32, #tpu.memory_space<hbm>> -> memref<32768xi32, #tpu.memory_space<hbm>>
        %dma_wait3A_199 = arith.constant 32768 : i32
        %dma_wait3A_200 = tpu.memref_slice %arg6[%dma_wait3A_199] : memref<65536xi32, #tpu.memory_space<vmem>> -> memref<32768xi32, #tpu.memory_space<vmem>>
        %dma_wait3A_201 = arith.constant 0 : i32
        %dma_wait3A_202 = tpu.memref_slice %arg2[%dma_wait3A_201] : memref<2097152xi32, #tpu.memory_space<hbm>> -> memref<32768xi32, #tpu.memory_space<hbm>>
        tpu.wait_dma2 semaphore(%arg11 : memref<!tpu.dma_semaphore, #tpu.memory_space<semaphore_mem>>) src(%dma_wait3A_202 : memref<32768xi32, #tpu.memory_space<hbm>>) dst(%dma_wait3A_200 : memref<32768xi32, #tpu.memory_space<vmem>>)
      } else {
      }
      %dma_wait3A_167 = arith.constant 0 : i32
      %dma_wait3A_168 = tpu.memref_slice %arg4[%dma_wait3A_167] : memref<33554432xf32, #tpu.memory_space<hbm>> -> memref<16384xf32, #tpu.memory_space<hbm>>
      %dma_wait3A_169 = arith.constant 0 : i32
      %dma_wait3A_170 = tpu.memref_slice %arg4[%dma_wait3A_169] : memref<33554432xf32, #tpu.memory_space<hbm>> -> memref<16384xf32, #tpu.memory_space<hbm>>
      tpu.wait_dma2 semaphore(%arg12 : memref<!tpu.dma_semaphore, #tpu.memory_space<semaphore_mem>>) src(%arg7 : memref<16384xf32, #tpu.memory_space<vmem>>) dst(%dma_wait3A_170 : memref<16384xf32, #tpu.memory_space<hbm>>)
      %parallel_loop3A_171 = arith.constant 0 : i32
      %parallel_loop3A_172 = arith.constant 64 : i32
      %parallel_loop3A_173 = arith.constant 1 : i32
      scf.for %parallel_loop3A_195 = %parallel_loop3A_171 to %parallel_loop3A_172 step %parallel_loop3A_173  : i32 {
        %parallel_loop3A_196 = arith.constant 2 : i32
        %parallel_loop3A_197 = arith.muli %mul3A_164, %parallel_loop3A_196 : i32
        %parallel_loop3A_198 = arith.constant 5 : i32
        %parallel_loop3A_199 = arith.shrsi %parallel_loop3A_195, %parallel_loop3A_198 : i32
        %parallel_loop3A_200 = arith.addi %parallel_loop3A_197, %parallel_loop3A_199 : i32
        %parallel_loop3A_201 = arith.constant 3 : i32
        %parallel_loop3A_202 = arith.shrsi %parallel_loop3A_195, %parallel_loop3A_201 : i32
        %parallel_loop3A_203 = arith.constant 3 : i32
        %parallel_loop3A_204 = arith.andi %parallel_loop3A_202, %parallel_loop3A_203 : i32
        %parallel_loop3A_205 = arith.constant 1024 : i32
        %parallel_loop3A_206 = arith.muli %parallel_loop3A_204, %parallel_loop3A_205 : i32
        %parallel_loop3A_207 = arith.constant 7 : i32
        %parallel_loop3A_208 = arith.andi %parallel_loop3A_195, %parallel_loop3A_207 : i32
        %parallel_loop3A_209 = arith.constant 16 : i32
        %parallel_loop3A_210 = arith.muli %parallel_loop3A_208, %parallel_loop3A_209 : i32
        %parallel_loop3A_211 = arith.addi %parallel_loop3A_206, %parallel_loop3A_210 : i32
        %parallel_loop3A_212 = arith.constant 3 : i32
        %parallel_loop3A_213 = arith.shrsi %parallel_loop3A_200, %parallel_loop3A_212 : i32
        %parallel_loop3A_214 = arith.constant 4096 : i32
        %parallel_loop3A_215 = arith.muli %parallel_loop3A_213, %parallel_loop3A_214 : i32
        %parallel_loop3A_216 = arith.constant 7 : i32
        %parallel_loop3A_217 = arith.andi %parallel_loop3A_200, %parallel_loop3A_216 : i32
        %parallel_loop3A_218 = arith.constant 128 : i32
        %parallel_loop3A_219 = arith.muli %parallel_loop3A_217, %parallel_loop3A_218 : i32
        %parallel_loop3A_220 = arith.addi %parallel_loop3A_215, %parallel_loop3A_219 : i32
        %parallel_loop3A_221 = arith.addi %parallel_loop3A_220, %parallel_loop3A_211 : i32
        %parallel_loop3A_222 = arith.index_cast %parallel_loop3A_221 : i32 to index
        %parallel_loop3A_223 = tpu.vector_load %arg6[%parallel_loop3A_222] {strides = array<i32>} : memref<65536xi32, #tpu.memory_space<vmem>>, vector<16xi32>,
        %parallel_loop3A_224 = arith.constant 5 : i32
        %parallel_loop3A_225 = arith.shrsi %parallel_loop3A_195, %parallel_loop3A_224 : i32
        %parallel_loop3A_226 = arith.constant 8192 : i32
        %parallel_loop3A_227 = arith.muli %parallel_loop3A_225, %parallel_loop3A_226 : i32
        %parallel_loop3A_228 = arith.addi %parallel_loop3A_227, %parallel_loop3A_211 : i32
        %parallel_loop3A_229 = vector.shape_cast %parallel_loop3A_223 : vector<16xi32> to vector<16x1xi32>
        %parallel_loop3A_230 = vector.shape_cast %parallel_loop3A_229 : vector<16x1xi32> to vector<16xi32>
        %parallel_loop3A_231 = tpu.dynamic_gather %gather3A[%parallel_loop3A_230] in [0] : vector<16xf32>, vector<16xi32> -> vector<16xf32>
        %parallel_loop3A_232 = arith.constant 0 : i32
        %parallel_loop3A_233 = arith.addi %parallel_loop3A_228, %parallel_loop3A_232 : i32
        %parallel_loop3A_234 = arith.index_cast %parallel_loop3A_233 : i32 to index
        %parallel_loop3A_235 = tpu.vector_load %arg7[%parallel_loop3A_234] {strides = array<i32>} : memref<16384xf32, #tpu.memory_space<vmem>>, vector<16xf32>,
        tpu.vector_store %arg7[%parallel_loop3A_234], %parallel_loop3A_231 {strides = array<i32>} : memref<16384xf32, #tpu.memory_space<vmem>>, vector<16xf32>,
        %parallel_loop3A_236 = vector.shape_cast %parallel_loop3A_223 : vector<16xi32> to vector<16x1xi32>
        %parallel_loop3A_237 = vector.shape_cast %parallel_loop3A_236 : vector<16x1xi32> to vector<16xi32>
        %parallel_loop3A_238 = tpu.dynamic_gather %gather3A_32[%parallel_loop3A_237] in [0] : vector<16xf32>, vector<16xi32> -> vector<16xf32>
        %parallel_loop3A_239 = arith.constant 128 : i32
        %parallel_loop3A_240 = arith.addi %parallel_loop3A_228, %parallel_loop3A_239 : i32
        %parallel_loop3A_241 = arith.index_cast %parallel_loop3A_240 : i32 to index
        %parallel_loop3A_242 = tpu.vector_load %arg7[%parallel_loop3A_241] {strides = array<i32>} : memref<16384xf32, #tpu.memory_space<vmem>>, vector<16xf32>,
        tpu.vector_store %arg7[%parallel_loop3A_241], %parallel_loop3A_238 {strides = array<i32>} : memref<16384xf32, #tpu.memory_space<vmem>>, vector<16xf32>,
        %parallel_loop3A_243 = vector.shape_cast %parallel_loop3A_223 : vector<16xi32> to vector<16x1xi32>
        %parallel_loop3A_244 = vector.shape_cast %parallel_loop3A_243 : vector<16x1xi32> to vector<16xi32>
        %parallel_loop3A_245 = tpu.dynamic_gather %gather3A_39[%parallel_loop3A_244] in [0] : vector<16xf32>, vector<16xi32> -> vector<16xf32>
        %parallel_loop3A_246 = arith.constant 256 : i32
        %parallel_loop3A_247 = arith.addi %parallel_loop3A_228, %parallel_loop3A_246 : i32
        %parallel_loop3A_248 = arith.index_cast %parallel_loop3A_247 : i32 to index
        %parallel_loop3A_249 = tpu.vector_load %arg7[%parallel_loop3A_248] {strides = array<i32>} : memref<16384xf32, #tpu.memory_space<vmem>>, vector<16xf32>,
        tpu.vector_store %arg7[%parallel_loop3A_248], %parallel_loop3A_245 {strides = array<i32>} : memref<16384xf32, #tpu.memory_space<vmem>>, vector<16xf32>,
        %parallel_loop3A_250 = vector.shape_cast %parallel_loop3A_223 : vector<16xi32> to vector<16x1xi32>
        %parallel_loop3A_251 = vector.shape_cast %parallel_loop3A_250 : vector<16x1xi32> to vector<16xi32>
        %parallel_loop3A_252 = tpu.dynamic_gather %gather3A_46[%parallel_loop3A_251] in [0] : vector<16xf32>, vector<16xi32> -> vector<16xf32>
        %parallel_loop3A_253 = arith.constant 384 : i32
        %parallel_loop3A_254 = arith.addi %parallel_loop3A_228, %parallel_loop3A_253 : i32
        %parallel_loop3A_255 = arith.index_cast %parallel_loop3A_254 : i32 to index
        %parallel_loop3A_256 = tpu.vector_load %arg7[%parallel_loop3A_255] {strides = array<i32>} : memref<16384xf32, #tpu.memory_space<vmem>>, vector<16xf32>,
        tpu.vector_store %arg7[%parallel_loop3A_255], %parallel_loop3A_252 {strides = array<i32>} : memref<16384xf32, #tpu.memory_space<vmem>>, vector<16xf32>,
        %parallel_loop3A_257 = vector.shape_cast %parallel_loop3A_223 : vector<16xi32> to vector<16x1xi32>
        %parallel_loop3A_258 = vector.shape_cast %parallel_loop3A_257 : vector<16x1xi32> to vector<16xi32>
        %parallel_loop3A_259 = tpu.dynamic_gather %gather3A_53[%parallel_loop3A_258] in [0] : vector<16xf32>, vector<16xi32> -> vector<16xf32>
        %parallel_loop3A_260 = arith.constant 512 : i32
        %parallel_loop3A_261 = arith.addi %parallel_loop3A_228, %parallel_loop3A_260 : i32
        %parallel_loop3A_262 = arith.index_cast %parallel_loop3A_261 : i32 to index
        %parallel_loop3A_263 = tpu.vector_load %arg7[%parallel_loop3A_262] {strides = array<i32>} : memref<16384xf32, #tpu.memory_space<vmem>>, vector<16xf32>,
        tpu.vector_store %arg7[%parallel_loop3A_262], %parallel_loop3A_259 {strides = array<i32>} : memref<16384xf32, #tpu.memory_space<vmem>>, vector<16xf32>,
        %parallel_loop3A_264 = vector.shape_cast %parallel_loop3A_223 : vector<16xi32> to vector<16x1xi32>
        %parallel_loop3A_265 = vector.shape_cast %parallel_loop3A_264 : vector<16x1xi32> to vector<16xi32>
        %parallel_loop3A_266 = tpu.dynamic_gather %gather3A_60[%parallel_loop3A_265] in [0] : vector<16xf32>, vector<16xi32> -> vector<16xf32>
        %parallel_loop3A_267 = arith.constant 640 : i32
        %parallel_loop3A_268 = arith.addi %parallel_loop3A_228, %parallel_loop3A_267 : i32
        %parallel_loop3A_269 = arith.index_cast %parallel_loop3A_268 : i32 to index
        %parallel_loop3A_270 = tpu.vector_load %arg7[%parallel_loop3A_269] {strides = array<i32>} : memref<16384xf32, #tpu.memory_space<vmem>>, vector<16xf32>,
        tpu.vector_store %arg7[%parallel_loop3A_269], %parallel_loop3A_266 {strides = array<i32>} : memref<16384xf32, #tpu.memory_space<vmem>>, vector<16xf32>,
        %parallel_loop3A_271 = vector.shape_cast %parallel_loop3A_223 : vector<16xi32> to vector<16x1xi32>
        %parallel_loop3A_272 = vector.shape_cast %parallel_loop3A_271 : vector<16x1xi32> to vector<16xi32>
        %parallel_loop3A_273 = tpu.dynamic_gather %gather3A_67[%parallel_loop3A_272] in [0] : vector<16xf32>, vector<16xi32> -> vector<16xf32>
        %parallel_loop3A_274 = arith.constant 768 : i32
        %parallel_loop3A_275 = arith.addi %parallel_loop3A_228, %parallel_loop3A_274 : i32
        %parallel_loop3A_276 = arith.index_cast %parallel_loop3A_275 : i32 to index
        %parallel_loop3A_277 = tpu.vector_load %arg7[%parallel_loop3A_276] {strides = array<i32>} : memref<16384xf32, #tpu.memory_space<vmem>>, vector<16xf32>,
        tpu.vector_store %arg7[%parallel_loop3A_276], %parallel_loop3A_273 {strides = array<i32>} : memref<16384xf32, #tpu.memory_space<vmem>>, vector<16xf32>,
        %parallel_loop3A_278 = vector.shape_cast %parallel_loop3A_223 : vector<16xi32> to vector<16x1xi32>
        %parallel_loop3A_279 = vector.shape_cast %parallel_loop3A_278 : vector<16x1xi32> to vector<16xi32>
        %parallel_loop3A_280 = tpu.dynamic_gather %gather3A_74[%parallel_loop3A_279] in [0] : vector<16xf32>, vector<16xi32> -> vector<16xf32>
        %parallel_loop3A_281 = arith.constant 896 : i32
        %parallel_loop3A_282 = arith.addi %parallel_loop3A_228, %parallel_loop3A_281 : i32
        %parallel_loop3A_283 = arith.index_cast %parallel_loop3A_282 : i32 to index
        %parallel_loop3A_284 = tpu.vector_load %arg7[%parallel_loop3A_283] {strides = array<i32>} : memref<16384xf32, #tpu.memory_space<vmem>>, vector<16xf32>,
        tpu.vector_store %arg7[%parallel_loop3A_283], %parallel_loop3A_280 {strides = array<i32>} : memref<16384xf32, #tpu.memory_space<vmem>>, vector<16xf32>,
        %parallel_loop3A_285 = vector.shape_cast %parallel_loop3A_223 : vector<16xi32> to vector<16x1xi32>
        %parallel_loop3A_286 = vector.shape_cast %parallel_loop3A_285 : vector<16x1xi32> to vector<16xi32>
        %parallel_loop3A_287 = tpu.dynamic_gather %gather3A_81[%parallel_loop3A_286] in [0] : vector<16xf32>, vector<16xi32> -> vector<16xf32>
        %parallel_loop3A_288 = arith.constant 4096 : i32
        %parallel_loop3A_289 = arith.addi %parallel_loop3A_228, %parallel_loop3A_288 : i32
        %parallel_loop3A_290 = arith.index_cast %parallel_loop3A_289 : i32 to index
        %parallel_loop3A_291 = tpu.vector_load %arg7[%parallel_loop3A_290] {strides = array<i32>} : memref<16384xf32, #tpu.memory_space<vmem>>, vector<16xf32>,
        tpu.vector_store %arg7[%parallel_loop3A_290], %parallel_loop3A_287 {strides = array<i32>} : memref<16384xf32, #tpu.memory_space<vmem>>, vector<16xf32>,
        %parallel_loop3A_292 = vector.shape_cast %parallel_loop3A_223 : vector<16xi32> to vector<16x1xi32>
        %parallel_loop3A_293 = vector.shape_cast %parallel_loop3A_292 : vector<16x1xi32> to vector<16xi32>
        %parallel_loop3A_294 = tpu.dynamic_gather %gather3A_88[%parallel_loop3A_293] in [0] : vector<16xf32>, vector<16xi32> -> vector<16xf32>
        %parallel_loop3A_295 = arith.constant 4224 : i32
        %parallel_loop3A_296 = arith.addi %parallel_loop3A_228, %parallel_loop3A_295 : i32
        %parallel_loop3A_297 = arith.index_cast %parallel_loop3A_296 : i32 to index
        %parallel_loop3A_298 = tpu.vector_load %arg7[%parallel_loop3A_297] {strides = array<i32>} : memref<16384xf32, #tpu.memory_space<vmem>>, vector<16xf32>,
        tpu.vector_store %arg7[%parallel_loop3A_297], %parallel_loop3A_294 {strides = array<i32>} : memref<16384xf32, #tpu.memory_space<vmem>>, vector<16xf32>,
        %parallel_loop3A_299 = vector.shape_cast %parallel_loop3A_223 : vector<16xi32> to vector<16x1xi32>
        %parallel_loop3A_300 = vector.shape_cast %parallel_loop3A_299 : vector<16x1xi32> to vector<16xi32>
        %parallel_loop3A_301 = tpu.dynamic_gather %gather3A_95[%parallel_loop3A_300] in [0] : vector<16xf32>, vector<16xi32> -> vector<16xf32>
        %parallel_loop3A_302 = arith.constant 4352 : i32
        %parallel_loop3A_303 = arith.addi %parallel_loop3A_228, %parallel_loop3A_302 : i32
        %parallel_loop3A_304 = arith.index_cast %parallel_loop3A_303 : i32 to index
        %parallel_loop3A_305 = tpu.vector_load %arg7[%parallel_loop3A_304] {strides = array<i32>} : memref<16384xf32, #tpu.memory_space<vmem>>, vector<16xf32>,
        tpu.vector_store %arg7[%parallel_loop3A_304], %parallel_loop3A_301 {strides = array<i32>} : memref<16384xf32, #tpu.memory_space<vmem>>, vector<16xf32>,
        %parallel_loop3A_306 = vector.shape_cast %parallel_loop3A_223 : vector<16xi32> to vector<16x1xi32>
        %parallel_loop3A_307 = vector.shape_cast %parallel_loop3A_306 : vector<16x1xi32> to vector<16xi32>
        %parallel_loop3A_308 = tpu.dynamic_gather %gather3A_102[%parallel_loop3A_307] in [0] : vector<16xf32>, vector<16xi32> -> vector<16xf32>
        %parallel_loop3A_309 = arith.constant 4480 : i32
        %parallel_loop3A_310 = arith.addi %parallel_loop3A_228, %parallel_loop3A_309 : i32
        %parallel_loop3A_311 = arith.index_cast %parallel_loop3A_310 : i32 to index
        %parallel_loop3A_312 = tpu.vector_load %arg7[%parallel_loop3A_311] {strides = array<i32>} : memref<16384xf32, #tpu.memory_space<vmem>>, vector<16xf32>,
        tpu.vector_store %arg7[%parallel_loop3A_311], %parallel_loop3A_308 {strides = array<i32>} : memref<16384xf32, #tpu.memory_space<vmem>>, vector<16xf32>,
        %parallel_loop3A_313 = vector.shape_cast %parallel_loop3A_223 : vector<16xi32> to vector<16x1xi32>
        %parallel_loop3A_314 = vector.shape_cast %parallel_loop3A_313 : vector<16x1xi32> to vector<16xi32>
        %parallel_loop3A_315 = tpu.dynamic_gather %gather3A_109[%parallel_loop3A_314] in [0] : vector<16xf32>, vector<16xi32> -> vector<16xf32>
        %parallel_loop3A_316 = arith.constant 4608 : i32
        %parallel_loop3A_317 = arith.addi %parallel_loop3A_228, %parallel_loop3A_316 : i32
        %parallel_loop3A_318 = arith.index_cast %parallel_loop3A_317 : i32 to index
        %parallel_loop3A_319 = tpu.vector_load %arg7[%parallel_loop3A_318] {strides = array<i32>} : memref<16384xf32, #tpu.memory_space<vmem>>, vector<16xf32>,
        tpu.vector_store %arg7[%parallel_loop3A_318], %parallel_loop3A_315 {strides = array<i32>} : memref<16384xf32, #tpu.memory_space<vmem>>, vector<16xf32>,
        %parallel_loop3A_320 = vector.shape_cast %parallel_loop3A_223 : vector<16xi32> to vector<16x1xi32>
        %parallel_loop3A_321 = vector.shape_cast %parallel_loop3A_320 : vector<16x1xi32> to vector<16xi32>
        %parallel_loop3A_322 = tpu.dynamic_gather %gather3A_116[%parallel_loop3A_321] in [0] : vector<16xf32>, vector<16xi32> -> vector<16xf32>
        %parallel_loop3A_323 = arith.constant 4736 : i32
        %parallel_loop3A_324 = arith.addi %parallel_loop3A_228, %parallel_loop3A_323 : i32
        %parallel_loop3A_325 = arith.index_cast %parallel_loop3A_324 : i32 to index
        %parallel_loop3A_326 = tpu.vector_load %arg7[%parallel_loop3A_325] {strides = array<i32>} : memref<16384xf32, #tpu.memory_space<vmem>>, vector<16xf32>,
        tpu.vector_store %arg7[%parallel_loop3A_325], %parallel_loop3A_322 {strides = array<i32>} : memref<16384xf32, #tpu.memory_space<vmem>>, vector<16xf32>,
        %parallel_loop3A_327 = vector.shape_cast %parallel_loop3A_223 : vector<16xi32> to vector<16x1xi32>
        %parallel_loop3A_328 = vector.shape_cast %parallel_loop3A_327 : vector<16x1xi32> to vector<16xi32>
        %parallel_loop3A_329 = tpu.dynamic_gather %gather3A_123[%parallel_loop3A_328] in [0] : vector<16xf32>, vector<16xi32> -> vector<16xf32>
        %parallel_loop3A_330 = arith.constant 4864 : i32
        %parallel_loop3A_331 = arith.addi %parallel_loop3A_228, %parallel_loop3A_330 : i32
        %parallel_loop3A_332 = arith.index_cast %parallel_loop3A_331 : i32 to index
        %parallel_loop3A_333 = tpu.vector_load %arg7[%parallel_loop3A_332] {strides = array<i32>} : memref<16384xf32, #tpu.memory_space<vmem>>, vector<16xf32>,
        tpu.vector_store %arg7[%parallel_loop3A_332], %parallel_loop3A_329 {strides = array<i32>} : memref<16384xf32, #tpu.memory_space<vmem>>, vector<16xf32>,
        %parallel_loop3A_334 = vector.shape_cast %parallel_loop3A_223 : vector<16xi32> to vector<16x1xi32>
        %parallel_loop3A_335 = vector.shape_cast %parallel_loop3A_334 : vector<16x1xi32> to vector<16xi32>
        %parallel_loop3A_336 = tpu.dynamic_gather %gather3A_130[%parallel_loop3A_335] in [0] : vector<16xf32>, vector<16xi32> -> vector<16xf32>
        %parallel_loop3A_337 = arith.constant 4992 : i32
        %parallel_loop3A_338 = arith.addi %parallel_loop3A_228, %parallel_loop3A_337 : i32
        %parallel_loop3A_339 = arith.index_cast %parallel_loop3A_338 : i32 to index
        %parallel_loop3A_340 = tpu.vector_load %arg7[%parallel_loop3A_339] {strides = array<i32>} : memref<16384xf32, #tpu.memory_space<vmem>>, vector<16xf32>,
        tpu.vector_store %arg7[%parallel_loop3A_339], %parallel_loop3A_336 {strides = array<i32>} : memref<16384xf32, #tpu.memory_space<vmem>>, vector<16xf32>,
      } {sc.loop_unroll_factor = 1 : i64, sc.parallel_access}
      %mul3A_174 = arith.constant 16384 : i32
      %mul3A_175 = arith.muli %mul3A_164, %mul3A_174 : i32
      %add3A_176 = arith.addi %mul3A_6, %mul3A_175 : i32
      %dma_start3A_177 = tpu.memref_slice %arg4[%add3A_176] : memref<33554432xf32, #tpu.memory_space<hbm>> -> memref<16384xf32, #tpu.memory_space<hbm>>
      %dma_start3A_178 = tpu.memref_slice %arg4[%add3A_176] : memref<33554432xf32, #tpu.memory_space<hbm>> -> memref<16384xf32, #tpu.memory_space<hbm>>
      tpu.enqueue_dma source(%arg7 : memref<16384xf32, #tpu.memory_space<vmem>>) target(%dma_start3A_178 : memref<16384xf32, #tpu.memory_space<hbm>>) target_semaphore(%arg12 : memref<!tpu.dma_semaphore, #tpu.memory_space<semaphore_mem>>)
      %dma_wait3A_179 = arith.constant 0 : i32
      %dma_wait3A_180 = tpu.memref_slice %arg4[%dma_wait3A_179] : memref<33554432xf32, #tpu.memory_space<hbm>> -> memref<16384xf32, #tpu.memory_space<hbm>>
      %dma_wait3A_181 = arith.constant 0 : i32
      %dma_wait3A_182 = tpu.memref_slice %arg4[%dma_wait3A_181] : memref<33554432xf32, #tpu.memory_space<hbm>> -> memref<16384xf32, #tpu.memory_space<hbm>>
      tpu.wait_dma2 semaphore(%arg13 : memref<!tpu.dma_semaphore, #tpu.memory_space<semaphore_mem>>) src(%arg8 : memref<16384xf32, #tpu.memory_space<vmem>>) dst(%dma_wait3A_182 : memref<16384xf32, #tpu.memory_space<hbm>>)
      %add3A_183 = arith.constant 1 : i32
      %add3A_184 = arith.addi %mul3A_164, %add3A_183 : i32
      %parallel_loop3A_185 = arith.constant 0 : i32
      %parallel_loop3A_186 = arith.constant 64 : i32
      %parallel_loop3A_187 = arith.constant 1 : i32
      scf.for %parallel_loop3A_195 = %parallel_loop3A_185 to %parallel_loop3A_186 step %parallel_loop3A_187  : i32 {
        %parallel_loop3A_196 = arith.constant 2 : i32
        %parallel_loop3A_197 = arith.muli %add3A_184, %parallel_loop3A_196 : i32
        %parallel_loop3A_198 = arith.constant 5 : i32
        %parallel_loop3A_199 = arith.shrsi %parallel_loop3A_195, %parallel_loop3A_198 : i32
        %parallel_loop3A_200 = arith.addi %parallel_loop3A_197, %parallel_loop3A_199 : i32
        %parallel_loop3A_201 = arith.constant 3 : i32
        %parallel_loop3A_202 = arith.shrsi %parallel_loop3A_195, %parallel_loop3A_201 : i32
        %parallel_loop3A_203 = arith.constant 3 : i32
        %parallel_loop3A_204 = arith.andi %parallel_loop3A_202, %parallel_loop3A_203 : i32
        %parallel_loop3A_205 = arith.constant 1024 : i32
        %parallel_loop3A_206 = arith.muli %parallel_loop3A_204, %parallel_loop3A_205 : i32
        %parallel_loop3A_207 = arith.constant 7 : i32
        %parallel_loop3A_208 = arith.andi %parallel_loop3A_195, %parallel_loop3A_207 : i32
        %parallel_loop3A_209 = arith.constant 16 : i32
        %parallel_loop3A_210 = arith.muli %parallel_loop3A_208, %parallel_loop3A_209 : i32
        %parallel_loop3A_211 = arith.addi %parallel_loop3A_206, %parallel_loop3A_210 : i32
        %parallel_loop3A_212 = arith.constant 3 : i32
        %parallel_loop3A_213 = arith.shrsi %parallel_loop3A_200, %parallel_loop3A_212 : i32
        %parallel_loop3A_214 = arith.constant 4096 : i32
        %parallel_loop3A_215 = arith.muli %parallel_loop3A_213, %parallel_loop3A_214 : i32
        %parallel_loop3A_216 = arith.constant 7 : i32
        %parallel_loop3A_217 = arith.andi %parallel_loop3A_200, %parallel_loop3A_216 : i32
        %parallel_loop3A_218 = arith.constant 128 : i32
        %parallel_loop3A_219 = arith.muli %parallel_loop3A_217, %parallel_loop3A_218 : i32
        %parallel_loop3A_220 = arith.addi %parallel_loop3A_215, %parallel_loop3A_219 : i32
        %parallel_loop3A_221 = arith.addi %parallel_loop3A_220, %parallel_loop3A_211 : i32
        %parallel_loop3A_222 = arith.index_cast %parallel_loop3A_221 : i32 to index
        %parallel_loop3A_223 = tpu.vector_load %arg6[%parallel_loop3A_222] {strides = array<i32>} : memref<65536xi32, #tpu.memory_space<vmem>>, vector<16xi32>,
        %parallel_loop3A_224 = arith.constant 5 : i32
        %parallel_loop3A_225 = arith.shrsi %parallel_loop3A_195, %parallel_loop3A_224 : i32
        %parallel_loop3A_226 = arith.constant 8192 : i32
        %parallel_loop3A_227 = arith.muli %parallel_loop3A_225, %parallel_loop3A_226 : i32
        %parallel_loop3A_228 = arith.addi %parallel_loop3A_227, %parallel_loop3A_211 : i32
        %parallel_loop3A_229 = vector.shape_cast %parallel_loop3A_223 : vector<16xi32> to vector<16x1xi32>
        %parallel_loop3A_230 = vector.shape_cast %parallel_loop3A_229 : vector<16x1xi32> to vector<16xi32>
        %parallel_loop3A_231 = tpu.dynamic_gather %gather3A[%parallel_loop3A_230] in [0] : vector<16xf32>, vector<16xi32> -> vector<16xf32>
        %parallel_loop3A_232 = arith.constant 0 : i32
        %parallel_loop3A_233 = arith.addi %parallel_loop3A_228, %parallel_loop3A_232 : i32
        %parallel_loop3A_234 = arith.index_cast %parallel_loop3A_233 : i32 to index
        %parallel_loop3A_235 = tpu.vector_load %arg8[%parallel_loop3A_234] {strides = array<i32>} : memref<16384xf32, #tpu.memory_space<vmem>>, vector<16xf32>,
        tpu.vector_store %arg8[%parallel_loop3A_234], %parallel_loop3A_231 {strides = array<i32>} : memref<16384xf32, #tpu.memory_space<vmem>>, vector<16xf32>,
        %parallel_loop3A_236 = vector.shape_cast %parallel_loop3A_223 : vector<16xi32> to vector<16x1xi32>
        %parallel_loop3A_237 = vector.shape_cast %parallel_loop3A_236 : vector<16x1xi32> to vector<16xi32>
        %parallel_loop3A_238 = tpu.dynamic_gather %gather3A_32[%parallel_loop3A_237] in [0] : vector<16xf32>, vector<16xi32> -> vector<16xf32>
        %parallel_loop3A_239 = arith.constant 128 : i32
        %parallel_loop3A_240 = arith.addi %parallel_loop3A_228, %parallel_loop3A_239 : i32
        %parallel_loop3A_241 = arith.index_cast %parallel_loop3A_240 : i32 to index
        %parallel_loop3A_242 = tpu.vector_load %arg8[%parallel_loop3A_241] {strides = array<i32>} : memref<16384xf32, #tpu.memory_space<vmem>>, vector<16xf32>,
        tpu.vector_store %arg8[%parallel_loop3A_241], %parallel_loop3A_238 {strides = array<i32>} : memref<16384xf32, #tpu.memory_space<vmem>>, vector<16xf32>,
        %parallel_loop3A_243 = vector.shape_cast %parallel_loop3A_223 : vector<16xi32> to vector<16x1xi32>
        %parallel_loop3A_244 = vector.shape_cast %parallel_loop3A_243 : vector<16x1xi32> to vector<16xi32>
        %parallel_loop3A_245 = tpu.dynamic_gather %gather3A_39[%parallel_loop3A_244] in [0] : vector<16xf32>, vector<16xi32> -> vector<16xf32>
        %parallel_loop3A_246 = arith.constant 256 : i32
        %parallel_loop3A_247 = arith.addi %parallel_loop3A_228, %parallel_loop3A_246 : i32
        %parallel_loop3A_248 = arith.index_cast %parallel_loop3A_247 : i32 to index
        %parallel_loop3A_249 = tpu.vector_load %arg8[%parallel_loop3A_248] {strides = array<i32>} : memref<16384xf32, #tpu.memory_space<vmem>>, vector<16xf32>,
        tpu.vector_store %arg8[%parallel_loop3A_248], %parallel_loop3A_245 {strides = array<i32>} : memref<16384xf32, #tpu.memory_space<vmem>>, vector<16xf32>,
        %parallel_loop3A_250 = vector.shape_cast %parallel_loop3A_223 : vector<16xi32> to vector<16x1xi32>
        %parallel_loop3A_251 = vector.shape_cast %parallel_loop3A_250 : vector<16x1xi32> to vector<16xi32>
        %parallel_loop3A_252 = tpu.dynamic_gather %gather3A_46[%parallel_loop3A_251] in [0] : vector<16xf32>, vector<16xi32> -> vector<16xf32>
        %parallel_loop3A_253 = arith.constant 384 : i32
        %parallel_loop3A_254 = arith.addi %parallel_loop3A_228, %parallel_loop3A_253 : i32
        %parallel_loop3A_255 = arith.index_cast %parallel_loop3A_254 : i32 to index
        %parallel_loop3A_256 = tpu.vector_load %arg8[%parallel_loop3A_255] {strides = array<i32>} : memref<16384xf32, #tpu.memory_space<vmem>>, vector<16xf32>,
        tpu.vector_store %arg8[%parallel_loop3A_255], %parallel_loop3A_252 {strides = array<i32>} : memref<16384xf32, #tpu.memory_space<vmem>>, vector<16xf32>,
        %parallel_loop3A_257 = vector.shape_cast %parallel_loop3A_223 : vector<16xi32> to vector<16x1xi32>
        %parallel_loop3A_258 = vector.shape_cast %parallel_loop3A_257 : vector<16x1xi32> to vector<16xi32>
        %parallel_loop3A_259 = tpu.dynamic_gather %gather3A_53[%parallel_loop3A_258] in [0] : vector<16xf32>, vector<16xi32> -> vector<16xf32>
        %parallel_loop3A_260 = arith.constant 512 : i32
        %parallel_loop3A_261 = arith.addi %parallel_loop3A_228, %parallel_loop3A_260 : i32
        %parallel_loop3A_262 = arith.index_cast %parallel_loop3A_261 : i32 to index
        %parallel_loop3A_263 = tpu.vector_load %arg8[%parallel_loop3A_262] {strides = array<i32>} : memref<16384xf32, #tpu.memory_space<vmem>>, vector<16xf32>,
        tpu.vector_store %arg8[%parallel_loop3A_262], %parallel_loop3A_259 {strides = array<i32>} : memref<16384xf32, #tpu.memory_space<vmem>>, vector<16xf32>,
        %parallel_loop3A_264 = vector.shape_cast %parallel_loop3A_223 : vector<16xi32> to vector<16x1xi32>
        %parallel_loop3A_265 = vector.shape_cast %parallel_loop3A_264 : vector<16x1xi32> to vector<16xi32>
        %parallel_loop3A_266 = tpu.dynamic_gather %gather3A_60[%parallel_loop3A_265] in [0] : vector<16xf32>, vector<16xi32> -> vector<16xf32>
        %parallel_loop3A_267 = arith.constant 640 : i32
        %parallel_loop3A_268 = arith.addi %parallel_loop3A_228, %parallel_loop3A_267 : i32
        %parallel_loop3A_269 = arith.index_cast %parallel_loop3A_268 : i32 to index
        %parallel_loop3A_270 = tpu.vector_load %arg8[%parallel_loop3A_269] {strides = array<i32>} : memref<16384xf32, #tpu.memory_space<vmem>>, vector<16xf32>,
        tpu.vector_store %arg8[%parallel_loop3A_269], %parallel_loop3A_266 {strides = array<i32>} : memref<16384xf32, #tpu.memory_space<vmem>>, vector<16xf32>,
        %parallel_loop3A_271 = vector.shape_cast %parallel_loop3A_223 : vector<16xi32> to vector<16x1xi32>
        %parallel_loop3A_272 = vector.shape_cast %parallel_loop3A_271 : vector<16x1xi32> to vector<16xi32>
        %parallel_loop3A_273 = tpu.dynamic_gather %gather3A_67[%parallel_loop3A_272] in [0] : vector<16xf32>, vector<16xi32> -> vector<16xf32>
        %parallel_loop3A_274 = arith.constant 768 : i32
        %parallel_loop3A_275 = arith.addi %parallel_loop3A_228, %parallel_loop3A_274 : i32
        %parallel_loop3A_276 = arith.index_cast %parallel_loop3A_275 : i32 to index
        %parallel_loop3A_277 = tpu.vector_load %arg8[%parallel_loop3A_276] {strides = array<i32>} : memref<16384xf32, #tpu.memory_space<vmem>>, vector<16xf32>,
        tpu.vector_store %arg8[%parallel_loop3A_276], %parallel_loop3A_273 {strides = array<i32>} : memref<16384xf32, #tpu.memory_space<vmem>>, vector<16xf32>,
        %parallel_loop3A_278 = vector.shape_cast %parallel_loop3A_223 : vector<16xi32> to vector<16x1xi32>
        %parallel_loop3A_279 = vector.shape_cast %parallel_loop3A_278 : vector<16x1xi32> to vector<16xi32>
        %parallel_loop3A_280 = tpu.dynamic_gather %gather3A_74[%parallel_loop3A_279] in [0] : vector<16xf32>, vector<16xi32> -> vector<16xf32>
        %parallel_loop3A_281 = arith.constant 896 : i32
        %parallel_loop3A_282 = arith.addi %parallel_loop3A_228, %parallel_loop3A_281 : i32
        %parallel_loop3A_283 = arith.index_cast %parallel_loop3A_282 : i32 to index
        %parallel_loop3A_284 = tpu.vector_load %arg8[%parallel_loop3A_283] {strides = array<i32>} : memref<16384xf32, #tpu.memory_space<vmem>>, vector<16xf32>,
        tpu.vector_store %arg8[%parallel_loop3A_283], %parallel_loop3A_280 {strides = array<i32>} : memref<16384xf32, #tpu.memory_space<vmem>>, vector<16xf32>,
        %parallel_loop3A_285 = vector.shape_cast %parallel_loop3A_223 : vector<16xi32> to vector<16x1xi32>
        %parallel_loop3A_286 = vector.shape_cast %parallel_loop3A_285 : vector<16x1xi32> to vector<16xi32>
        %parallel_loop3A_287 = tpu.dynamic_gather %gather3A_81[%parallel_loop3A_286] in [0] : vector<16xf32>, vector<16xi32> -> vector<16xf32>
        %parallel_loop3A_288 = arith.constant 4096 : i32
        %parallel_loop3A_289 = arith.addi %parallel_loop3A_228, %parallel_loop3A_288 : i32
        %parallel_loop3A_290 = arith.index_cast %parallel_loop3A_289 : i32 to index
        %parallel_loop3A_291 = tpu.vector_load %arg8[%parallel_loop3A_290] {strides = array<i32>} : memref<16384xf32, #tpu.memory_space<vmem>>, vector<16xf32>,
        tpu.vector_store %arg8[%parallel_loop3A_290], %parallel_loop3A_287 {strides = array<i32>} : memref<16384xf32, #tpu.memory_space<vmem>>, vector<16xf32>,
        %parallel_loop3A_292 = vector.shape_cast %parallel_loop3A_223 : vector<16xi32> to vector<16x1xi32>
        %parallel_loop3A_293 = vector.shape_cast %parallel_loop3A_292 : vector<16x1xi32> to vector<16xi32>
        %parallel_loop3A_294 = tpu.dynamic_gather %gather3A_88[%parallel_loop3A_293] in [0] : vector<16xf32>, vector<16xi32> -> vector<16xf32>
        %parallel_loop3A_295 = arith.constant 4224 : i32
        %parallel_loop3A_296 = arith.addi %parallel_loop3A_228, %parallel_loop3A_295 : i32
        %parallel_loop3A_297 = arith.index_cast %parallel_loop3A_296 : i32 to index
        %parallel_loop3A_298 = tpu.vector_load %arg8[%parallel_loop3A_297] {strides = array<i32>} : memref<16384xf32, #tpu.memory_space<vmem>>, vector<16xf32>,
        tpu.vector_store %arg8[%parallel_loop3A_297], %parallel_loop3A_294 {strides = array<i32>} : memref<16384xf32, #tpu.memory_space<vmem>>, vector<16xf32>,
        %parallel_loop3A_299 = vector.shape_cast %parallel_loop3A_223 : vector<16xi32> to vector<16x1xi32>
        %parallel_loop3A_300 = vector.shape_cast %parallel_loop3A_299 : vector<16x1xi32> to vector<16xi32>
        %parallel_loop3A_301 = tpu.dynamic_gather %gather3A_95[%parallel_loop3A_300] in [0] : vector<16xf32>, vector<16xi32> -> vector<16xf32>
        %parallel_loop3A_302 = arith.constant 4352 : i32
        %parallel_loop3A_303 = arith.addi %parallel_loop3A_228, %parallel_loop3A_302 : i32
        %parallel_loop3A_304 = arith.index_cast %parallel_loop3A_303 : i32 to index
        %parallel_loop3A_305 = tpu.vector_load %arg8[%parallel_loop3A_304] {strides = array<i32>} : memref<16384xf32, #tpu.memory_space<vmem>>, vector<16xf32>,
        tpu.vector_store %arg8[%parallel_loop3A_304], %parallel_loop3A_301 {strides = array<i32>} : memref<16384xf32, #tpu.memory_space<vmem>>, vector<16xf32>,
        %parallel_loop3A_306 = vector.shape_cast %parallel_loop3A_223 : vector<16xi32> to vector<16x1xi32>
        %parallel_loop3A_307 = vector.shape_cast %parallel_loop3A_306 : vector<16x1xi32> to vector<16xi32>
        %parallel_loop3A_308 = tpu.dynamic_gather %gather3A_102[%parallel_loop3A_307] in [0] : vector<16xf32>, vector<16xi32> -> vector<16xf32>
        %parallel_loop3A_309 = arith.constant 4480 : i32
        %parallel_loop3A_310 = arith.addi %parallel_loop3A_228, %parallel_loop3A_309 : i32
        %parallel_loop3A_311 = arith.index_cast %parallel_loop3A_310 : i32 to index
        %parallel_loop3A_312 = tpu.vector_load %arg8[%parallel_loop3A_311] {strides = array<i32>} : memref<16384xf32, #tpu.memory_space<vmem>>, vector<16xf32>,
        tpu.vector_store %arg8[%parallel_loop3A_311], %parallel_loop3A_308 {strides = array<i32>} : memref<16384xf32, #tpu.memory_space<vmem>>, vector<16xf32>,
        %parallel_loop3A_313 = vector.shape_cast %parallel_loop3A_223 : vector<16xi32> to vector<16x1xi32>
        %parallel_loop3A_314 = vector.shape_cast %parallel_loop3A_313 : vector<16x1xi32> to vector<16xi32>
        %parallel_loop3A_315 = tpu.dynamic_gather %gather3A_109[%parallel_loop3A_314] in [0] : vector<16xf32>, vector<16xi32> -> vector<16xf32>
        %parallel_loop3A_316 = arith.constant 4608 : i32
        %parallel_loop3A_317 = arith.addi %parallel_loop3A_228, %parallel_loop3A_316 : i32
        %parallel_loop3A_318 = arith.index_cast %parallel_loop3A_317 : i32 to index
        %parallel_loop3A_319 = tpu.vector_load %arg8[%parallel_loop3A_318] {strides = array<i32>} : memref<16384xf32, #tpu.memory_space<vmem>>, vector<16xf32>,
        tpu.vector_store %arg8[%parallel_loop3A_318], %parallel_loop3A_315 {strides = array<i32>} : memref<16384xf32, #tpu.memory_space<vmem>>, vector<16xf32>,
        %parallel_loop3A_320 = vector.shape_cast %parallel_loop3A_223 : vector<16xi32> to vector<16x1xi32>
        %parallel_loop3A_321 = vector.shape_cast %parallel_loop3A_320 : vector<16x1xi32> to vector<16xi32>
        %parallel_loop3A_322 = tpu.dynamic_gather %gather3A_116[%parallel_loop3A_321] in [0] : vector<16xf32>, vector<16xi32> -> vector<16xf32>
        %parallel_loop3A_323 = arith.constant 4736 : i32
        %parallel_loop3A_324 = arith.addi %parallel_loop3A_228, %parallel_loop3A_323 : i32
        %parallel_loop3A_325 = arith.index_cast %parallel_loop3A_324 : i32 to index
        %parallel_loop3A_326 = tpu.vector_load %arg8[%parallel_loop3A_325] {strides = array<i32>} : memref<16384xf32, #tpu.memory_space<vmem>>, vector<16xf32>,
        tpu.vector_store %arg8[%parallel_loop3A_325], %parallel_loop3A_322 {strides = array<i32>} : memref<16384xf32, #tpu.memory_space<vmem>>, vector<16xf32>,
        %parallel_loop3A_327 = vector.shape_cast %parallel_loop3A_223 : vector<16xi32> to vector<16x1xi32>
        %parallel_loop3A_328 = vector.shape_cast %parallel_loop3A_327 : vector<16x1xi32> to vector<16xi32>
        %parallel_loop3A_329 = tpu.dynamic_gather %gather3A_123[%parallel_loop3A_328] in [0] : vector<16xf32>, vector<16xi32> -> vector<16xf32>
        %parallel_loop3A_330 = arith.constant 4864 : i32
        %parallel_loop3A_331 = arith.addi %parallel_loop3A_228, %parallel_loop3A_330 : i32
        %parallel_loop3A_332 = arith.index_cast %parallel_loop3A_331 : i32 to index
        %parallel_loop3A_333 = tpu.vector_load %arg8[%parallel_loop3A_332] {strides = array<i32>} : memref<16384xf32, #tpu.memory_space<vmem>>, vector<16xf32>,
        tpu.vector_store %arg8[%parallel_loop3A_332], %parallel_loop3A_329 {strides = array<i32>} : memref<16384xf32, #tpu.memory_space<vmem>>, vector<16xf32>,
        %parallel_loop3A_334 = vector.shape_cast %parallel_loop3A_223 : vector<16xi32> to vector<16x1xi32>
        %parallel_loop3A_335 = vector.shape_cast %parallel_loop3A_334 : vector<16x1xi32> to vector<16xi32>
        %parallel_loop3A_336 = tpu.dynamic_gather %gather3A_130[%parallel_loop3A_335] in [0] : vector<16xf32>, vector<16xi32> -> vector<16xf32>
        %parallel_loop3A_337 = arith.constant 4992 : i32
        %parallel_loop3A_338 = arith.addi %parallel_loop3A_228, %parallel_loop3A_337 : i32
        %parallel_loop3A_339 = arith.index_cast %parallel_loop3A_338 : i32 to index
        %parallel_loop3A_340 = tpu.vector_load %arg8[%parallel_loop3A_339] {strides = array<i32>} : memref<16384xf32, #tpu.memory_space<vmem>>, vector<16xf32>,
        tpu.vector_store %arg8[%parallel_loop3A_339], %parallel_loop3A_336 {strides = array<i32>} : memref<16384xf32, #tpu.memory_space<vmem>>, vector<16xf32>,
      } {sc.loop_unroll_factor = 1 : i64, sc.parallel_access}
      %add3A_188 = arith.constant 1 : i32
      %add3A_189 = arith.addi %mul3A_164, %add3A_188 : i32
      %mul3A_190 = arith.constant 16384 : i32
      %mul3A_191 = arith.muli %add3A_189, %mul3A_190 : i32
      %add3A_192 = arith.addi %mul3A_6, %mul3A_191 : i32
      %dma_start3A_193 = tpu.memref_slice %arg4[%add3A_192] : memref<33554432xf32, #tpu.memory_space<hbm>> -> memref<16384xf32, #tpu.memory_space<hbm>>
      %dma_start3A_194 = tpu.memref_slice %arg4[%add3A_192] : memref<33554432xf32, #tpu.memory_space<hbm>> -> memref<16384xf32, #tpu.memory_space<hbm>>
      tpu.enqueue_dma source(%arg8 : memref<16384xf32, #tpu.memory_space<vmem>>) target(%dma_start3A_194 : memref<16384xf32, #tpu.memory_space<hbm>>) target_semaphore(%arg13 : memref<!tpu.dma_semaphore, #tpu.memory_space<semaphore_mem>>)
    }
    %scan3A_153 = arith.constant 31 : i32
    %dma_wait3A_154 = arith.constant 0 : i32
    %dma_wait3A_155 = tpu.memref_slice %arg4[%dma_wait3A_154] : memref<33554432xf32, #tpu.memory_space<hbm>> -> memref<16384xf32, #tpu.memory_space<hbm>>
    %dma_wait3A_156 = arith.constant 0 : i32
    %dma_wait3A_157 = tpu.memref_slice %arg4[%dma_wait3A_156] : memref<33554432xf32, #tpu.memory_space<hbm>> -> memref<16384xf32, #tpu.memory_space<hbm>>
    tpu.wait_dma2 semaphore(%arg12 : memref<!tpu.dma_semaphore, #tpu.memory_space<semaphore_mem>>) src(%arg7 : memref<16384xf32, #tpu.memory_space<vmem>>) dst(%dma_wait3A_157 : memref<16384xf32, #tpu.memory_space<hbm>>)
    %dma_wait3A_158 = arith.constant 0 : i32
    %dma_wait3A_159 = tpu.memref_slice %arg4[%dma_wait3A_158] : memref<33554432xf32, #tpu.memory_space<hbm>> -> memref<16384xf32, #tpu.memory_space<hbm>>
    %dma_wait3A_160 = arith.constant 0 : i32
    %dma_wait3A_161 = tpu.memref_slice %arg4[%dma_wait3A_160] : memref<33554432xf32, #tpu.memory_space<hbm>> -> memref<16384xf32, #tpu.memory_space<hbm>>
    tpu.wait_dma2 semaphore(%arg13 : memref<!tpu.dma_semaphore, #tpu.memory_space<semaphore_mem>>) src(%arg8 : memref<16384xf32, #tpu.memory_space<vmem>>) dst(%dma_wait3A_161 : memref<16384xf32, #tpu.memory_space<hbm>>)
    return
  }
}

</mosaic_0001>

<sc_bundles>
// kernel: kernel.3.cloned.1.call-start
scs
__scs_entry_jumppad:
0x0: {  	(pc) =	sbr.rel $0x88, $3  }
0x1: {  	(tag) =	ssettag $0x0;
	lr =	simm.s32 $0x1  }
0x2: {  	[smem:$0x3F9F] =	sst lr;
	_ =	strace $0xD0000000  }
0x3: {  	_ = 	snop  }
0x4: {  	_ = 	snop  }
0x5: {  	_ = 	snop  }
0x6: {  	_ = 	snop  }
0x7: {  	_ = 	snop  }
__scs_overlays_trampoline_lowered:
0x8: {  	[smem:$0x3FAE] =	sst s0  }
0x9: {  	[smem:$0x3FAF] =	sst s1  }
0xa: {  	[smem:$0x3FB0] =	sst s2  }
0xb: {  	[smem:$0x3FB1] =	sst s3  }
0xc: {  	[smem:$0x3FB2] =	sst s4  }
0xd: {  	[smem:$0x3FB3] =	sst s5  }
0xe: {  	[smem:$0x3FB4] =	sst s6  }
0xf: {  	[smem:$0x3FB5] =	sst s7  }
0x10: {  	[smem:$0x3FB6] =	sst s8  }
0x11: {  	[smem:$0x3FB7] =	sst s9;
	s0 =	simm.s32 @!p0 $0x0  }
0x12: {  	s1 =	sld [smem:$0x3F9D];
	s0 =	simm.s32 @p0 $0x1  }
0x13: {  	[smem:$0x3FB8] =	sst s0;
	s0 =	simm.s32 @!p1 $0x0  }
0x14: {  	s2 =	sld [smem:$0x3F9C];
	s0 =	simm.s32 @p1 $0x1  }
0x15: {  	[smem:$0x3FB9] =	sst s0;
	s0 =	simm.s32 @!p2 $0x0  }
0x16: {  	s3 =	sld [smem:$0x3FDB];
	s0 =	simm.s32 @p2 $0x1  }
0x17: {  	s4 =	simm.s32 $0x1BF5;
	[smem:$0x3FBB] =	sst s0  }
0x18: {  	s0 =	sld [smem:$0x3F9E];
	_ =	swait.ge [sflag:s4], $0x0  }
0x19: {  	s7 =	sld [smem:$0x3F9F]  }
0x1a: {  	s8 =	sadd.s32 $0xFFFFE003, lr  }
0x1b: {  	s9 =	sadd.s32 $0xFFFFFEF7, lr;
	s5 =	simm.s32 $0xFFFFFFFF;
	p2 =	slt.u32 s8, $0xFFFFF086  }
0x1c: {  	p1 =	slt.u32 s9, $0xF7A;
	s5 =	simm.s32 @!p2 $0x0  }
0x1d: {  	s5 =	simm.s32 @p1 $0x1;
	p0 =	seq.s32 s7, s2  }
0x1e: {  	s7 =	smul.u32 @!p0 $0xF7A, s2;
	p2 =	seq.s32 @!p0 s5, $0x0  }
0x1f: {  	s9 =	smul.u32 $0xF7A, s1;
	s8 =	simm.s32 @!p0 $0x1BF5;
	p2 =	por !p2, p0  }
0x20: {  	[sflag:s8] =	ssyncset.s32 @!p0 $0xFFFFF086;
	s6 =	sadd.s32 @!p0 s3, s7;
	s7 =	simm.s32 @!p0 $0x108  }
0x21: {  	s3 =	sadd.s32 s3, s9;
	s6 =	sadd.s32 @!p0 $0x88, s6;
	s7 =	simm.s32 @p2 $0x1082  }
0x22: {  	[simem:s7], [sflag:s8] =	dma.local @!p0 [hbm:s6], $0xF7A  }
0x23: {  	s9 =	sor.u32 $0xD0000000, s2;
	s6 =	simm.s32 $0x108;
	_ =	swait.ge @!p0 [sflag:s8], $0x0  }
0x24: {  	s3 =	sadd.s32 $0x88, s3;
	s6 =	simm.s32 @!p1 $0x1082;
	[sflag:s4] =	ssyncset.s32 $0xFFFFF086  }
0x25: {  	[simem:s6], [sflag:s4] =	dma.local [hbm:s3], $0xF7A  }
0x26: {  	[smem:$0x3F9F] =	sst s1;
	(tag) =	ssettag s2;
	_ =	strace s9  }
0x27: {  	s1 =	sld [smem:$0x3FAF]  }
0x28: {  	s2 =	sld [smem:$0x3FB0]  }
0x29: {  	s4 =	sld [smem:$0x3FB2]  }
0x2a: {  	p0 =	seq.s32 s5, $0x0;
	s5 =	sld [smem:$0x3FB3]  }
0x2b: {  	s6 =	sld [smem:$0x3FB4]  }
0x2c: {  	s7 =	sld [smem:$0x3FB5]  }
0x2d: {  	s3 =	simm.s32 $0x108;
	s8 =	sld [smem:$0x3FB6]  }
0x2e: {  	s3 =	simm.s32 @!p0 $0x1082;
	s9 =	sld [smem:$0x3FB7]  }
0x2f: {  	lr =	sadd.s32 s0, s3;
	s0 =	sld [smem:$0x3FAE]  }
0x30: {  	s3 =	sld [smem:$0x3FB1]  }
0x31: {  	[smem:$0x3FBA] =	sst s10  }
0x32: {  	s10 =	sld [smem:$0x3FB8];
	_ =	sdelay $0x3  }
0x33: {  	p0 =	seq.s32 s10, $0x1;
	s10 =	sld [smem:$0x3FBA];
	_ =	sdelay $0x3  }
0x34: {  	[smem:$0x3FBA] =	sst s10  }
0x35: {  	s10 =	sld [smem:$0x3FB9];
	_ =	sdelay $0x3  }
0x36: {  	p1 =	seq.s32 s10, $0x1;
	s10 =	sld [smem:$0x3FBA];
	_ =	sdelay $0x3  }
0x37: {  	[smem:$0x3FBA] =	sst s10  }
0x38: {  	s10 =	sld [smem:$0x3FBB]  }
0x39: {  	_ = 	snop;
	(pc) =	sbr.ind lr, $3  }
0x3a: {  	_ = 	snop  }
0x3b: {  	_ = 	snop  }
0x3c: {  	p2 =	seq.s32 s10, $0x1;
	s10 =	sld [smem:$0x3FBA]  }
0x3d: {  	_ =	shalt  }
0x3e: {  	_ =	shalt  }
0x3f: {  	_ =	shalt  }
0x40: {  	_ =	shalt  }
0x41: {  	_ =	shalt  }
0x42: {  	_ =	shalt  }
0x43: {  	_ =	shalt  }
0x44: {  	_ =	shalt  }
0x45: {  	_ =	shalt  }
0x46: {  	_ =	shalt  }
0x47: {  	_ =	shalt  }
0x48: {  	_ =	shalt  }
0x49: {  	_ =	shalt  }
0x4a: {  	_ =	shalt  }
0x4b: {  	_ =	shalt  }
0x4c: {  	_ =	shalt  }
0x4d: {  	_ =	shalt  }
0x4e: {  	_ =	shalt  }
0x4f: {  	_ =	shalt  }
0x50: {  	_ =	shalt  }
0x51: {  	_ =	shalt  }
0x52: {  	_ =	shalt  }
0x53: {  	_ =	shalt  }
0x54: {  	_ =	shalt  }
0x55: {  	_ =	shalt  }
0x56: {  	_ =	shalt  }
0x57: {  	_ =	shalt  }
0x58: {  	_ =	shalt  }
0x59: {  	_ =	shalt  }
0x5a: {  	_ =	shalt  }
0x5b: {  	_ =	shalt  }
0x5c: {  	_ =	shalt  }
0x5d: {  	_ =	shalt  }
0x5e: {  	_ =	shalt  }
0x5f: {  	_ =	shalt  }
0x60: {  	_ =	shalt  }
0x61: {  	_ =	shalt  }
0x62: {  	_ =	shalt  }
0x63: {  	_ =	shalt  }
0x64: {  	_ =	shalt  }
0x65: {  	_ =	shalt  }
0x66: {  	_ =	shalt  }
0x67: {  	_ =	shalt  }
0x68: {  	_ =	shalt  }
0x69: {  	_ =	shalt  }
0x6a: {  	_ =	shalt  }
0x6b: {  	_ =	shalt  }
0x6c: {  	_ =	shalt  }
0x6d: {  	_ =	shalt  }
0x6e: {  	_ =	shalt  }
0x6f: {  	_ =	shalt  }
0x70: {  	_ =	shalt  }
0x71: {  	_ =	shalt  }
0x72: {  	_ =	shalt  }
0x73: {  	_ =	shalt  }
0x74: {  	_ =	shalt  }
0x75: {  	_ =	shalt  }
0x76: {  	_ =	shalt  }
0x77: {  	_ =	shalt  }
0x78: {  	_ =	shalt  }
0x79: {  	_ =	shalt  }
0x7a: {  	_ =	shalt  }
0x7b: {  	_ =	shalt  }
0x7c: {  	_ =	shalt  }
0x7d: {  	_ =	shalt  }
0x7e: {  	_ =	shalt  }
0x7f: {  	_ =	shalt  }
0x80: {  	_ =	shalt  }
0x81: {  	_ =	shalt  }
0x82: {  	_ =	shalt  }
0x83: {  	_ =	shalt  }
0x84: {  	_ =	shalt  }
0x85: {  	_ =	shalt  }
0x86: {  	_ =	shalt  }
0x87: {  	_ =	shalt  }
.Lfunc_end0:
.L_simem_size_0:
called_computation_lowered:
.L_overlay_start_0:
0x88: {  	s2 =	sld [smem:$0x3FD9]  }
0x89: {  	s3 =	sld [smem:$0x3FFE];
	_ =	sdelay $0x1  }
0x8a: {  	s1 =	srdreg.scid  }
0x8b: {  	s0 =	sand.u32 $0x1, s1  }
0x8c: {  	s17 =	sshll.u32 s0, $0xA;
	s2 =	sadd.s32 s3, s2  }
0x8d: {  	s2 =	sadd.s32 s2, s17  }
0x8e: {  	[smem:$0x3FC6] =	sst s2  }
0x8f: {  	_ = 	snop  }
0x90: {  	s2 =	sld [smem:$0x3FC9]  }
0x91: {  	s18 =	sld [smem:$0x3FD0];
	(tm) =	ssettm $0x1  }
0x92: {  	s4 =	sld [smem:$0x3FFB];
	_ =	sdelay $0x3  }
0x93: {  	_ =	strace s4  }
0x94: {  	s4 =	sld [smem:$0x3FFC];
	_ =	sdelay $0x3  }
0x95: {  	_ =	strace s4  }
0x96: {  	s4 =	sld [smem:$0x3FFD];
	_ =	sdelay $0x3  }
0x97: {  	_ =	strace s4  }
0x98: {  	_ =	strace $0x8FFFFFFF  }
0x99: {  	s19 =	sld [smem:$0x3FDB];
	_ =	sdelay $0x1  }
0x9a: {  	s5 =	simm.s32 $_scs_section_size  }
0x9b: {  	s6 =	simm.s32 $_size__tile_overlayer_lowered;
	s7 =	simm.s32 $_tile_overlayer_lowered  }
0x9c: {  	s22 =	simm.s32 $0x1BFF;
	s21 =	sshll.u32 s7, $0x1;
	s4 =	sadd.s32 s5, s19  }
0x9d: {  	s8 =	simm.s32 $0x0;
	s20 =	sshll.u32 s6, $0x1;
	s6 =	sadd.s32 s21, s4  }
0x9e: {  	[timem:s8], [sflag:s22] =	dma.local [hbm:s6], s20  }
0x9f: {  	_ =	swait.ge [sflag:s22], s20  }
0xa0: {  	s5 =	ssub.s32 $0x0, s20;
	[sflag:s22] =	ssyncset.done $0x0  }
0xa1: {  	[sflag:s22] =	ssyncadd.s32 s5;
	_ =	sdelay $0x1  }
0xa2: {  	s23 =	simm.s32 $0x1B8B  }
0xa3: {  	_ =	swait.ge [sflag:s23], $0x1  }
0xa4: {  	[sflag:s23] =	ssyncset.done $0x0  }
0xa5: {  	s25 =	simm.s32 $0x1B8E;
	s24 =	sld [smem:$0x3FFE];
	[sflag:s23] =	ssyncadd.s32 $0xFFFFFFFF  }
0xa6: {  	s26 =	simm.s32 $execute0_lowered;
	[smem:$0x3FD2] =	sst s25  }
0xa7: {  	s6 =	sshll.u32 s26, $0x1;
	_ =	strace $0x80000046;
	[dreg:$0x1] =	wrdreg $0xFFFFFFFF  }
0xa8: {  	s28 =	simm.s32 $_size_execute0_lowered;
	s4 =	sadd.s32 s4, s6;
	[dreg:$0x0] =	wrdreg $0x0  }
0xa9: {  	s6 =	sshll.u32 s28, $0x1;
	[dreg:$0x2] =	wrdreg s4  }
0xaa: {  	[dreg:$0x3] =	wrdreg s6  }
0xab: {  	[dreg:$0x4] =	wrdreg $0xC0  }
0xac: {  	_ =	task [dreg:s8], $0x5FFFF  }
0xad: {  	[dreg:$0x1] =	wrdreg $0xFFFFFFFF  }
0xae: {  	[dreg:$0x0] =	wrdreg $0x60  }
0xaf: {  	[dreg:$0x2] =	wrdreg s2  }
0xb0: {  	[dreg:$0x3] =	wrdreg s24  }
0xb1: {  	[dreg:$0x4] =	wrdreg s18  }
0xb2: {  	[dreg:$0x5] =	wrdreg $0x9  }
0xb3: {  	_ =	task.clear_ibuf [dreg:s8], $0x6FFFF;
	_ =	strace $0x90000046  }
0xb4: {  	s29 =	simm.s32 $0x9;
	_ =	strace $0x80000048  }
0xb5: {  	_ =	swait.ge [sflag:s29], $0x1  }
0xb6: {  	[sflag:s29] =	ssyncadd.s32 $0xFFFFFFFF  }
0xb7: {  	_ =	strace $0x90000048  }
0xb8: {  	_ =	sfence  }
0xb9: {  	s30 =	sld [smem:$0x0];
	_ =	sdelay $0x2  }
0xba: {  	s31 =	sshll.u32 s1, $0xD;
	s1 =	sshrl.u32 s1, $0x2  }
0xbb: {  	s3 =	sand.u32 $0x4000, s31;
	s1 =	sadd.s32 s1, s30  }
0xbc: {  	s0 =	sor.u32 s3, s0;
	s1 =	sshll.u32 s1, $0x11  }
0xbd: {  	s0 =	sor.u32 s1, s0  }
0xbe: {  	s0 =	sadd.s32 $0x8F2B, s0  }
0xbf: {  	[sflag:s0] =	ssyncadd.remote.s32 $0x1  }
0xc0: {  	_ =	sfence.sel $0xFFFF  }
0xc1: {  	[dreg:$0x0] =	wrdreg $0xFFFFFFFF;
	(pc) =	sbr.abs _section_cstart, $3  }
0xc2: {  	[dreg:$0x1] =	wrdreg $0xFFFFFFFF  }
0xc3: {  	_ =	task.clear_ibuf [dreg:s8], $0x2FFFF;
	_ =	strace $0x9FFFFFFF  }
0xc4: {  	(tm) =	ssettm $0x7FFFFFFF  }
0xc5: {  	_ =	shalt  }
tec
execute0_lowered:
.L_overlay_start_1:
0x0: {  	(tag) =	ssettag $0x1  }
0x1: {  	s6 =	rddreg [dreg:$0x0]  }
0x2: {  	s4 =	rddreg [dreg:$0x1]  }
0x3: {  	s1 =	rddreg [dreg:$0x2];
	s3 =	simm.s32 $0x0;
	s5 =	srdreg.scid  }
0x4: {  	s2 =	stileid.u32;
	s11 =	simm.s32 $0x100;
	s12 =	simm.s32 $0x8100  }
0x5: {  	v0 =	vlaneseq.u32;
	s13 =	simm.s32 $0x1;
	s14 =	simm.s32 $0x2;
	s15 =	simm.s32 $0x10100  }
0x6: {  	s16 =	simm.s32 $0x14100;
	s17 =	simm.s32 $0x4;
	s18 =	simm.s32 $0x5;
	v0 =	vmul.u32 $0x10, v0  }
0x7: {  	s19 =	simm.s32 $0x0;
	[smem:$0x7FF] =	sst s3;
	s5 =	sand.u32 $0x1, s5  }
0x8: {  	s8 =	sshll.u32 s2, $0x1;
	s4 =	sadd.s32 $0x400, s4;
	s7 =	ssub.s32 $0x2, s5;
	v1 =	vor.u32 $0x1, v0;
	v2 =	vor.u32 $0x2, v0;
	v3 =	vor.u32 $0x3, v0  }
0x9: {  	_ =	strace $0x80000047;
	s5 =	sor.u32 s5, s8;
	s9 =	sshrl.u32 s7, $0x1;
	v4 =	vor.u32 $0x4, v0;
	v5 =	vor.u32 $0x5, v0;
	v6 =	vor.u32 $0x6, v0  }
0xa: {  	s31 =	sshll.u32 s5, $0xD;
	s8 =	sshll.u32 s5, $0x11;
	s5 =	sshll.u32 s5, $0x14;
	v7 =	vor.u32 $0x7, v0;
	v8 =	vor.u32 $0x8, v0;
	v9 =	vor.u32 $0x9, v0  }
0xb: {  	v10 =	vor.u32 $0xA, v0;
	v11 =	vor.u32 $0xB, v0;
	v12 =	vor.u32 $0xC, v0;
	s10 =	ssub.s32 s7, s9;
	s6 =	sadd.s32 s6, s31;
	s7 =	sadd.s32 s1, s8  }
0xc: {  	v13 =	vor.u32 $0xD, v0;
	v14 =	vor.u32 $0xE, v0;
	v15 =	vor.u32 $0xF, v0;
	s8 =	sadd.s32 $0x1000, s6;
	s9 =	sadd.s32 $0x800, s7;
	s10 =	smax.u32 s10, $0x1  }
.LBB2_1:
0xd: {  	[tilespmem:s3], [sflag:$0x1] =	stream.linear.gather [hbm4b:s4+s3], $0x100, $0x38;
	[tilespmem:$0x18100] =	vst v63  }
0xe: {  	_ = 	snop  }
0xf: {  	[tilespmem:s11], [sflag:$0x2] =	stream.linear.gather [hbm4b:s6+s3], $0x8000, $0x38;
	[tilespmem:$0x18100] =	vst v63  }
0x10: {  	_ = 	snop  }
0x11: {  	[tilespmem:s12], [sflag:$0x3] =	stream.linear.gather [hbm4b:s8+s3], $0x8000, $0x38;
	[tilespmem:$0x18100] =	vst v63  }
0x12: {  	_ =	swait.ge [sflag:s13], $0x100  }
0x13: {  	[sflag:s13] =	ssyncset.done $0x0  }
0x14: {  	[sflag:s13] =	ssyncadd.s32 $0xFFFFFF00  }
0x15: {  	v16 =	vld.idx.msk [tilespmem:v0+s3+$0x0], $0xffff  }
0x16: {  	v17 =	vld.idx.msk [tilespmem:v1+s3+$0x0], $0xffff  }
0x17: {  	v18 =	vld.idx.msk [tilespmem:v2+s3+$0x0], $0xffff  }
0x18: {  	v19 =	vld.idx.msk [tilespmem:v3+s3+$0x0], $0xffff  }
0x19: {  	v20 =	vld.idx.msk [tilespmem:v4+s3+$0x0], $0xffff  }
0x1a: {  	v21 =	vld.idx.msk [tilespmem:v5+s3+$0x0], $0xffff  }
0x1b: {  	v22 =	vld.idx.msk [tilespmem:v6+s3+$0x0], $0xffff  }
0x1c: {  	v23 =	vld.idx.msk [tilespmem:v7+s3+$0x0], $0xffff  }
0x1d: {  	v24 =	vld.idx.msk [tilespmem:v8+s3+$0x0], $0xffff  }
0x1e: {  	v25 =	vld.idx.msk [tilespmem:v9+s3+$0x0], $0xffff  }
0x1f: {  	v26 =	vld.idx.msk [tilespmem:v10+s3+$0x0], $0xffff  }
0x20: {  	v27 =	vld.idx.msk [tilespmem:v11+s3+$0x0], $0xffff  }
0x21: {  	v28 =	vld.idx.msk [tilespmem:v12+s3+$0x0], $0xffff  }
0x22: {  	v29 =	vld.idx.msk [tilespmem:v13+s3+$0x0], $0xffff  }
0x23: {  	s20 =	simm.s32 $0x0;
	v30 =	vld.idx.msk [tilespmem:v14+s3+$0x0], $0xffff  }
0x24: {  	s21 =	sand.u32 $0xC00, s3;
	s20 =	sand.u32 $0x3FFFFF80, s20;
	v31 =	vld.idx.msk [tilespmem:v15+s3+$0x0], $0xffff;
	_ =	swait.ge [sflag:s14], $0x8000  }
0x25: {  	s22 =	sand.u32 $0x70, s3;
	s20 =	sadd.s32 s21, s20;
	[sflag:s14] =	ssyncset.done $0x0  }
0x26: {  	s20 =	sor.u32 s22, s20;
	[sflag:s14] =	ssyncadd.s32 $0xFFFF8000  }
0x27: {  	v32 =	vld [tilespmem:s20+$0x100];
	_ =	sdelay $0x1  }
0x28: {  	s31 =	simm.s32 $0x0  }
0x29: {  	s20 =	sand.u32 $0x3FFFE000, s31  }
0x2a: {  	s20 =	sor.u32 s21, s20  }
0x2b: {  	s21 =	sor.u32 s22, s20;
	v33 =	vperm.xlane v16, v32;
	v34 =	vperm.xlane v31, v32  }
0x2c: {  	s20 =	sadd.s32 $0x10100, s21;
	v35 =	vperm.xlane v17, v32;
	v36 =	vperm.xlane v18, v32  }
0x2d: {  	v42 =	vperm.xlane v19, v32;
	v43 =	vperm.xlane v20, v32;
	[tilespmem:s20+$0x1380] =	vst v34  }
0x2e: {  	v41 =	vperm.xlane v21, v32;
	v39 =	vperm.xlane v22, v32;
	[tilespmem:s21+$0x10100] =	vst v33  }
0x2f: {  	v40 =	vperm.xlane v23, v32;
	v37 =	vperm.xlane v24, v32;
	[tilespmem:s20+$0x80] =	vst v35  }
0x30: {  	v38 =	vperm.xlane v25, v32;
	v34 =	vperm.xlane v26, v32;
	[tilespmem:s20+$0x100] =	vst v36  }
0x31: {  	s25 =	simm.s32 $0x4;
	s23 =	simm.s32 $0x2;
	v33 =	vperm.xlane v28, v32;
	[tilespmem:s20+$0x180] =	vst v42;
	v35 =	vperm.xlane v27, v32  }
0x32: {  	s24 =	simm.s32 $0x80;
	s22 =	simm.s32 $0x10;
	s21 =	simm.s32 $0x1;
	[tilespmem:s20+$0x200] =	vst v43;
	v36 =	vperm.xlane v29, v32;
	v32 =	vperm.xlane v30, v32  }
.LBB2_2:
0x33: {  	p0 =	sne.s32 s23, $0x3F;
	s26 =	sand.u32 $0xC00, s24;
	s25 =	sand.u32 $0x3FFFFF80, s25;
	[tilespmem:s20+$0x280] =	vst v41  }
0x34: {  	s28 =	sand.u32 $0x70, s22;
	s25 =	sadd.s32 s26, s25;
	[tilespmem:s20+$0x300] =	vst v39  }
0x35: {  	s25 =	sor.u32 s28, s25;
	[tilespmem:s20+$0x380] =	vst v40  }
0x36: {  	v42 =	vld [tilespmem:s25+$0x100];
	[tilespmem:s20+$0x1000] =	vst v37  }
0x37: {  	[tilespmem:s20+$0x1080] =	vst v38  }
0x38: {  	s25 =	sshll.u32 s21, $0x8;
	s21 =	smov.u32 s23;
	[tilespmem:s20+$0x1100] =	vst v34  }
0x39: {  	s25 =	sand.u32 $0x3FFFE000, s25;
	[tilespmem:s20+$0x1180] =	vst v35  }
0x3a: {  	s25 =	sor.u32 s26, s25;
	[tilespmem:s20+$0x1200] =	vst v33  }
0x3b: {  	s25 =	sor.u32 s28, s25;
	v33 =	vperm.xlane v16, v42;
	v34 =	vperm.xlane v31, v42;
	[tilespmem:s20+$0x1280] =	vst v36  }
0x3c: {  	v35 =	vperm.xlane v17, v42;
	v36 =	vperm.xlane v18, v42;
	[tilespmem:s20+$0x1300] =	vst v32;
	s20 =	sadd.s32 $0x10100, s25  }
0x3d: {  	v43 =	vperm.xlane v20, v42;
	v32 =	vperm.xlane v19, v42;
	[tilespmem:s20+$0x1380] =	vst v34  }
.Ltmp0:
0x3e: {  	v41 =	vperm.xlane v21, v42;
	v39 =	vperm.xlane v22, v42;
	[tilespmem:s25+$0x10100] =	vst v33;
	(pc) =	sbr.rel @p0 .LBB2_2-.Ltmp0, $4  }
0x3f: {  	v40 =	vperm.xlane v23, v42;
	v37 =	vperm.xlane v24, v42;
	[tilespmem:s20+$0x80] =	vst v35  }
0x40: {  	v38 =	vperm.xlane v25, v42;
	v34 =	vperm.xlane v26, v42;
	[tilespmem:s20+$0x100] =	vst v36  }
0x41: {  	s22 =	sadd.s32 $0x10, s22;
	v33 =	vperm.xlane v28, v42;
	v35 =	vperm.xlane v27, v42;
	[tilespmem:s20+$0x180] =	vst v32  }
0x42: {  	s24 =	sadd.s32 $0x80, s24;
	s23 =	sadd.s32 $0x1, s23;
	s25 =	sshll.u32 s21, $0x2;
	v36 =	vperm.xlane v29, v42;
	v32 =	vperm.xlane v30, v42;
	[tilespmem:s20+$0x200] =	vst v43  }
0x43: {  	s23 =	sand.u32 $0xC00, s24;
	s26 =	sand.u32 $0x3FFFFF80, s25;
	[tilespmem:s20+$0x280] =	vst v41  }
0x44: {  	s22 =	sand.u32 $0x70, s22;
	[tilespmem:s20+$0x300] =	vst v39;
	s24 =	sadd.s32 s23, s26  }
0x45: {  	[tilespmem:s20+$0x380] =	vst v40;
	s24 =	sor.u32 s22, s24  }
0x46: {  	[tilespmem:s20+$0x1000] =	vst v37;
	v43 =	vld [tilespmem:s24+$0x100]  }
0x47: {  	[tilespmem:s20+$0x1080] =	vst v38  }
0x48: {  	s21 =	sshll.u32 s21, $0x8;
	[tilespmem:s20+$0x1100] =	vst v34  }
0x49: {  	[tilespmem:s20+$0x1180] =	vst v35;
	s21 =	sand.u32 $0x3FFFE000, s21  }
0x4a: {  	[tilespmem:s20+$0x1200] =	vst v33;
	s21 =	sor.u32 s23, s21  }
0x4b: {  	[tilespmem:s20+$0x1280] =	vst v36;
	s21 =	sor.u32 s22, s21;
	v44 =	vperm.xlane v31, v43  }
0x4c: {  	[tilespmem:s20+$0x1300] =	vst v32;
	s22 =	sadd.s32 $0x10100, s21;
	v45 =	vperm.xlane v16, v43  }
0x4d: {  	v46 =	vperm.xlane v17, v43;
	[tilespmem:s22+$0x1380] =	vst v44  }
0x4e: {  	v47 =	vperm.xlane v18, v43;
	[tilespmem:s21+$0x10100] =	vst v45  }
0x4f: {  	v48 =	vperm.xlane v19, v43;
	[tilespmem:s22+$0x80] =	vst v46  }
0x50: {  	v49 =	vperm.xlane v20, v43;
	[tilespmem:s22+$0x100] =	vst v47  }
0x51: {  	v50 =	vperm.xlane v21, v43;
	[tilespmem:s22+$0x180] =	vst v48  }
0x52: {  	v51 =	vperm.xlane v22, v43;
	[tilespmem:s22+$0x200] =	vst v49  }
0x53: {  	v52 =	vperm.xlane v23, v43;
	[tilespmem:s22+$0x280] =	vst v50  }
0x54: {  	v53 =	vperm.xlane v24, v43;
	[tilespmem:s22+$0x300] =	vst v51  }
0x55: {  	v54 =	vperm.xlane v25, v43;
	[tilespmem:s22+$0x380] =	vst v52  }
0x56: {  	v55 =	vperm.xlane v26, v43;
	[tilespmem:s22+$0x1000] =	vst v53  }
0x57: {  	v56 =	vperm.xlane v27, v43;
	[tilespmem:s22+$0x1080] =	vst v54  }
0x58: {  	v57 =	vperm.xlane v28, v43;
	[tilespmem:s22+$0x1100] =	vst v55  }
0x59: {  	v58 =	vperm.xlane v29, v43;
	[tilespmem:s22+$0x1180] =	vst v56  }
0x5a: {  	s28 =	simm.s32 $0x0;
	s29 =	simm.s32 $0x0;
	v59 =	vperm.xlane v30, v43;
	[tilespmem:s22+$0x1200] =	vst v57  }
0x5b: {  	s30 =	sand.u32 $0xC00, s28;
	s21 =	sand.u32 $0x3FFFFF80, s29;
	[tilespmem:s22+$0x1280] =	vst v58  }
0x5c: {  	s20 =	sand.u32 $0x70, s28;
	[tilespmem:s22+$0x1300] =	vst v59;
	s21 =	sadd.s32 s30, s21  }
0x5d: {  	[hbm4b:s7+s28] =	stream.linear.scatter [tilespmem:s15], [sflag:$0x4], $0x4000, $0x38;
	[tilespmem:$0x18100] =	vst v63  }
0x5e: {  	s21 =	sor.u32 s20, s21  }
0x5f: {  	v32 =	vld [tilespmem:s21+$0x200];
	_ =	sdelay $0x1  }
0x60: {  	s31 =	simm.s32 $0x0  }
0x61: {  	s21 =	sand.u32 $0x3FFFE000, s31  }
0x62: {  	s21 =	sor.u32 s30, s21  }
0x63: {  	s21 =	sor.u32 s20, s21;
	v60 =	vperm.xlane v16, v32;
	v61 =	vperm.xlane v31, v32  }
0x64: {  	s20 =	sadd.s32 $0x14100, s21;
	v62 =	vperm.xlane v17, v32;
	v63 =	vperm.xlane v18, v32  }
0x65: {  	v42 =	vperm.xlane v19, v32;
	v43 =	vperm.xlane v20, v32;
	[tilespmem:s20+$0x1380] =	vst v61  }
0x66: {  	v41 =	vperm.xlane v21, v32;
	v39 =	vperm.xlane v22, v32;
	[tilespmem:s21+$0x14100] =	vst v60  }
0x67: {  	v40 =	vperm.xlane v23, v32;
	v37 =	vperm.xlane v24, v32;
	[tilespmem:s20+$0x80] =	vst v62  }
0x68: {  	v38 =	vperm.xlane v25, v32;
	v34 =	vperm.xlane v26, v32;
	[tilespmem:s20+$0x100] =	vst v63  }
0x69: {  	s25 =	simm.s32 $0x4;
	s23 =	simm.s32 $0x2;
	v35 =	vperm.xlane v27, v32;
	v33 =	vperm.xlane v28, v32;
	[tilespmem:s20+$0x180] =	vst v42  }
0x6a: {  	s24 =	simm.s32 $0x80;
	s22 =	simm.s32 $0x10;
	v36 =	vperm.xlane v29, v32;
	v32 =	vperm.xlane v30, v32;
	s21 =	simm.s32 $0x1;
	[tilespmem:s20+$0x200] =	vst v43  }
.LBB2_4:
0x6b: {  	p0 =	sne.s32 s23, $0x3F;
	s26 =	sand.u32 $0xC00, s24;
	s25 =	sand.u32 $0x3FFFFF80, s25;
	[tilespmem:s20+$0x280] =	vst v41  }
0x6c: {  	s28 =	sand.u32 $0x70, s22;
	s25 =	sadd.s32 s26, s25;
	[tilespmem:s20+$0x300] =	vst v39  }
0x6d: {  	s25 =	sor.u32 s28, s25;
	[tilespmem:s20+$0x380] =	vst v40  }
0x6e: {  	v42 =	vld [tilespmem:s25+$0x200];
	[tilespmem:s20+$0x1000] =	vst v37  }
0x6f: {  	[tilespmem:s20+$0x1080] =	vst v38  }
0x70: {  	s25 =	sshll.u32 s21, $0x8;
	s21 =	smov.u32 s23;
	[tilespmem:s20+$0x1100] =	vst v34  }
0x71: {  	s25 =	sand.u32 $0x3FFFE000, s25;
	[tilespmem:s20+$0x1180] =	vst v35  }
0x72: {  	s25 =	sor.u32 s26, s25;
	[tilespmem:s20+$0x1200] =	vst v33  }
0x73: {  	s25 =	sor.u32 s28, s25;
	v33 =	vperm.xlane v16, v42;
	v34 =	vperm.xlane v31, v42;
	[tilespmem:s20+$0x1280] =	vst v36  }
0x74: {  	v35 =	vperm.xlane v17, v42;
	v36 =	vperm.xlane v18, v42;
	[tilespmem:s20+$0x1300] =	vst v32;
	s20 =	sadd.s32 $0x14100, s25  }
0x75: {  	v43 =	vperm.xlane v20, v42;
	v32 =	vperm.xlane v19, v42;
	[tilespmem:s20+$0x1380] =	vst v34  }
.Ltmp1:
0x76: {  	v41 =	vperm.xlane v21, v42;
	v39 =	vperm.xlane v22, v42;
	[tilespmem:s25+$0x14100] =	vst v33;
	(pc) =	sbr.rel @p0 .LBB2_4-.Ltmp1, $4  }
0x77: {  	v40 =	vperm.xlane v23, v42;
	v37 =	vperm.xlane v24, v42;
	[tilespmem:s20+$0x80] =	vst v35  }
0x78: {  	v38 =	vperm.xlane v25, v42;
	v34 =	vperm.xlane v26, v42;
	[tilespmem:s20+$0x100] =	vst v36  }
0x79: {  	s22 =	sadd.s32 $0x10, s22;
	v33 =	vperm.xlane v28, v42;
	v35 =	vperm.xlane v27, v42;
	[tilespmem:s20+$0x180] =	vst v32  }
0x7a: {  	s24 =	sadd.s32 $0x80, s24;
	s23 =	sadd.s32 $0x1, s23;
	s25 =	sshll.u32 s21, $0x2;
	v36 =	vperm.xlane v29, v42;
	v32 =	vperm.xlane v30, v42;
	[tilespmem:s20+$0x200] =	vst v43  }
0x7b: {  	s23 =	sand.u32 $0xC00, s24;
	s31 =	sand.u32 $0x3FFFFF80, s25;
	[tilespmem:s20+$0x280] =	vst v41  }
0x7c: {  	s22 =	sand.u32 $0x70, s22;
	[tilespmem:s20+$0x300] =	vst v39;
	s24 =	sadd.s32 s23, s31  }
0x7d: {  	[tilespmem:s20+$0x380] =	vst v40;
	s24 =	sor.u32 s22, s24  }
0x7e: {  	[tilespmem:s20+$0x1000] =	vst v37;
	v47 =	vld [tilespmem:s24+$0x200]  }
0x7f: {  	[tilespmem:s20+$0x1080] =	vst v38  }
0x80: {  	s21 =	sshll.u32 s21, $0x8;
	[tilespmem:s20+$0x1100] =	vst v34  }
0x81: {  	[tilespmem:s20+$0x1180] =	vst v35;
	s21 =	sand.u32 $0x3FFFE000, s21  }
0x82: {  	[tilespmem:s20+$0x1200] =	vst v33;
	s21 =	sor.u32 s23, s21  }
0x83: {  	[tilespmem:s20+$0x1280] =	vst v36;
	s21 =	sor.u32 s22, s21;
	v48 =	vperm.xlane v31, v47  }
0x84: {  	[tilespmem:s20+$0x1300] =	vst v32;
	s22 =	sadd.s32 $0x14100, s21;
	v49 =	vperm.xlane v16, v47  }
0x85: {  	v50 =	vperm.xlane v17, v47;
	[tilespmem:s22+$0x1380] =	vst v48  }
0x86: {  	v51 =	vperm.xlane v18, v47;
	[tilespmem:s21+$0x14100] =	vst v49  }
0x87: {  	v52 =	vperm.xlane v19, v47;
	[tilespmem:s22+$0x80] =	vst v50  }
0x88: {  	v53 =	vperm.xlane v20, v47;
	[tilespmem:s22+$0x100] =	vst v51  }
0x89: {  	v54 =	vperm.xlane v21, v47;
	[tilespmem:s22+$0x180] =	vst v52  }
0x8a: {  	v55 =	vperm.xlane v22, v47;
	[tilespmem:s22+$0x200] =	vst v53  }
0x8b: {  	v56 =	vperm.xlane v23, v47;
	[tilespmem:s22+$0x280] =	vst v54  }
0x8c: {  	v57 =	vperm.xlane v24, v47;
	[tilespmem:s22+$0x300] =	vst v55  }
0x8d: {  	v58 =	vperm.xlane v25, v47;
	[tilespmem:s22+$0x380] =	vst v56  }
0x8e: {  	v59 =	vperm.xlane v26, v47;
	[tilespmem:s22+$0x1000] =	vst v57  }
0x8f: {  	v60 =	vperm.xlane v27, v47;
	[tilespmem:s22+$0x1080] =	vst v58  }
0x90: {  	v61 =	vperm.xlane v28, v47;
	[tilespmem:s22+$0x1100] =	vst v59  }
0x91: {  	v62 =	vperm.xlane v29, v47;
	[tilespmem:s22+$0x1180] =	vst v60  }
0x92: {  	v63 =	vperm.xlane v30, v47;
	[tilespmem:s22+$0x1200] =	vst v61  }
0x93: {  	[tilespmem:s22+$0x1280] =	vst v62  }
0x94: {  	s20 =	simm.s32 $0x1;
	[tilespmem:s22+$0x1300] =	vst v63  }
0x95: {  	[hbm4b:s9+s3] =	stream.linear.scatter [tilespmem:s16], [sflag:$0x5], $0x4000, $0x38;
	[tilespmem:$0x18100] =	vst v63  }
.LBB2_6:
0x96: {  	p0 =	sne.s32 s20, $0x10  }
0x97: {  	s21 =	simm.s32 @!p0 $0x3  }
0x98: {  	s22 =	sshll.u32 s20, $0xB;
	s26 =	sshll.u32 s20, $0x9;
	_ =	swait.ge @!p0 [sflag:s21], $0x8000  }
0x99: {  	s23 =	simm.s32 $0x0;
	s25 =	sand.u32 $0xF000, s22;
	[sflag:s21] =	ssyncset.done @!p0 $0x0  }
0x9a: {  	s22 =	sand.u32 $0x200, s26;
	[sflag:s21] =	ssyncadd.s32 @!p0 $0xFFFF8000;
	s21 =	sor.u32 $0x100, s25  }
0x9b: {  	s31 =	sand.u32 $0x3FFFFF80, s23;
	s25 =	simm.s32 $0x0;
	s24 =	sor.u32 s22, s21  }
0x9c: {  	_ =	swait.ge [sflag:s17], $0x4000;
	s0 =	sand.u32 $0xC00, s25;
	s22 =	sadd.s32 s31, s24  }
0x9d: {  	s26 =	sand.u32 $0x70, s25;
	[sflag:s17] =	ssyncset.done $0x0;
	s22 =	sadd.s32 s0, s22  }
0x9e: {  	[sflag:s17] =	ssyncadd.s32 $0xFFFFC000;
	s22 =	sadd.s32 s26, s22  }
0x9f: {  	v32 =	vld [tilespmem:s22+$0x0];
	_ =	sdelay $0x1  }
0xa0: {  	s31 =	simm.s32 $0x0  }
0xa1: {  	s22 =	sand.u32 $0x3FFFE000, s31  }
0xa2: {  	s22 =	sor.u32 s0, s22  }
0xa3: {  	s22 =	sor.u32 s26, s22;
	v33 =	vperm.xlane v16, v32;
	v34 =	vperm.xlane v31, v32  }
0xa4: {  	s23 =	sadd.s32 $0x10100, s22;
	v35 =	vperm.xlane v17, v32;
	v38 =	vperm.xlane v18, v32  }
0xa5: {  	v42 =	vperm.xlane v19, v32;
	v41 =	vperm.xlane v20, v32;
	[tilespmem:s23+$0x1380] =	vst v34  }
0xa6: {  	v40 =	vperm.xlane v21, v32;
	v36 =	vperm.xlane v22, v32;
	[tilespmem:s22+$0x10100] =	vst v33  }
0xa7: {  	v37 =	vperm.xlane v23, v32;
	v39 =	vperm.xlane v25, v32;
	[tilespmem:s23+$0x80] =	vst v35  }
0xa8: {  	s30 =	simm.s32 $0x4;
	s29 =	simm.s32 $0x2;
	v34 =	vperm.xlane v24, v32;
	v33 =	vperm.xlane v28, v32;
	[tilespmem:s23+$0x100] =	vst v38  }
0xa9: {  	s28 =	simm.s32 $0x0;
	s26 =	simm.s32 $0x1;
	s22 =	sshll.u32 s20, $0x1;
	v35 =	vperm.xlane v26, v32;
	[tilespmem:s23+$0x180] =	vst v42;
	v38 =	vperm.xlane v27, v32  }
.LBB2_7:
0xaa: {  	p0 =	sne.s32 s29, $0x3F;
	s30 =	sand.u32 $0x3FFFFF80, s30;
	[tilespmem:s23+$0x200] =	vst v41;
	v41 =	vperm.xlane v29, v32;
	v42 =	vperm.xlane v30, v32;
	s25 =	sadd.s32 $0x80, s25  }
0xab: {  	s28 =	sadd.s32 $0x10, s28;
	s31 =	sand.u32 $0xC00, s25;
	s30 =	sadd.s32 s30, s24;
	[tilespmem:s23+$0x280] =	vst v40  }
0xac: {  	s0 =	sand.u32 $0x70, s28;
	s30 =	sadd.s32 s31, s30;
	[tilespmem:s23+$0x300] =	vst v36  }
0xad: {  	s30 =	sadd.s32 s0, s30;
	[tilespmem:s23+$0x380] =	vst v37  }
0xae: {  	v32 =	vld [tilespmem:s30+$0x0];
	[tilespmem:s23+$0x1000] =	vst v34  }
0xaf: {  	[tilespmem:s23+$0x1080] =	vst v39  }
0xb0: {  	s30 =	sshll.u32 s26, $0x8;
	s26 =	smov.u32 s29;
	[tilespmem:s23+$0x1100] =	vst v35  }
0xb1: {  	s30 =	sand.u32 $0x3FFFE000, s30;
	[tilespmem:s23+$0x1180] =	vst v38  }
0xb2: {  	s30 =	sor.u32 s31, s30;
	[tilespmem:s23+$0x1200] =	vst v33  }
0xb3: {  	s0 =	sor.u32 s0, s30;
	v33 =	vperm.xlane v16, v32;
	v34 =	vperm.xlane v31, v32;
	[tilespmem:s23+$0x1280] =	vst v41  }
0xb4: {  	v35 =	vperm.xlane v17, v32;
	v38 =	vperm.xlane v18, v32;
	[tilespmem:s23+$0x1300] =	vst v42;
	s23 =	sadd.s32 $0x10100, s0  }
.Ltmp2:
0xb5: {  	v41 =	vperm.xlane v20, v32;
	v42 =	vperm.xlane v19, v32;
	[tilespmem:s23+$0x1380] =	vst v34;
	(pc) =	sbr.rel @p0 .LBB2_7-.Ltmp2, $4  }
0xb6: {  	v40 =	vperm.xlane v21, v32;
	v36 =	vperm.xlane v22, v32;
	[tilespmem:s0+$0x10100] =	vst v33  }
0xb7: {  	v37 =	vperm.xlane v23, v32;
	v34 =	vperm.xlane v24, v32;
	[tilespmem:s23+$0x80] =	vst v35  }
0xb8: {  	v39 =	vperm.xlane v25, v32;
	v35 =	vperm.xlane v26, v32;
	[tilespmem:s23+$0x100] =	vst v38  }
0xb9: {  	s29 =	sadd.s32 $0x1, s29;
	s30 =	sshll.u32 s26, $0x2;
	v33 =	vperm.xlane v28, v32;
	v38 =	vperm.xlane v27, v32;
	[tilespmem:s23+$0x180] =	vst v42  }
0xba: {  	s0 =	sand.u32 $0x3FFFFF80, s30;
	[tilespmem:s23+$0x200] =	vst v41;
	s25 =	sadd.s32 $0x80, s25  }
0xbb: {  	[tilespmem:s23+$0x280] =	vst v40;
	s30 =	sadd.s32 $0x10, s28;
	s25 =	sand.u32 $0xC00, s25;
	s0 =	sadd.s32 s0, s24  }
0xbc: {  	[tilespmem:s23+$0x300] =	vst v36;
	s24 =	sand.u32 $0x70, s30;
	s0 =	sadd.s32 s25, s0  }
0xbd: {  	[tilespmem:s23+$0x380] =	vst v37;
	s0 =	sadd.s32 s24, s0  }
0xbe: {  	[tilespmem:s23+$0x1000] =	vst v34;
	v41 =	vld [tilespmem:s0+$0x0]  }
0xbf: {  	[tilespmem:s23+$0x1080] =	vst v39  }
0xc0: {  	s31 =	sshll.u32 s26, $0x8;
	[tilespmem:s23+$0x1100] =	vst v35  }
0xc1: {  	v42 =	vperm.xlane v29, v32;
	[tilespmem:s23+$0x1180] =	vst v38;
	s0 =	sand.u32 $0x3FFFE000, s31  }
0xc2: {  	v43 =	vperm.xlane v30, v32;
	[tilespmem:s23+$0x1200] =	vst v33;
	s0 =	sor.u32 s25, s0  }
0xc3: {  	[tilespmem:s23+$0x1280] =	vst v42;
	s0 =	sor.u32 s24, s0;
	v44 =	vperm.xlane v31, v41  }
0xc4: {  	[tilespmem:s23+$0x1300] =	vst v43;
	s24 =	sadd.s32 $0x10100, s0;
	v45 =	vperm.xlane v16, v41  }
0xc5: {  	v46 =	vperm.xlane v17, v41;
	[tilespmem:s24+$0x1380] =	vst v44  }
0xc6: {  	v47 =	vperm.xlane v18, v41;
	[tilespmem:s0+$0x10100] =	vst v45  }
0xc7: {  	v48 =	vperm.xlane v19, v41;
	[tilespmem:s24+$0x80] =	vst v46  }
0xc8: {  	v49 =	vperm.xlane v20, v41;
	[tilespmem:s24+$0x100] =	vst v47  }
0xc9: {  	v50 =	vperm.xlane v21, v41;
	[tilespmem:s24+$0x180] =	vst v48  }
0xca: {  	v51 =	vperm.xlane v22, v41;
	[tilespmem:s24+$0x200] =	vst v49  }
0xcb: {  	v52 =	vperm.xlane v23, v41;
	[tilespmem:s24+$0x280] =	vst v50  }
0xcc: {  	v53 =	vperm.xlane v24, v41;
	[tilespmem:s24+$0x300] =	vst v51  }
0xcd: {  	v54 =	vperm.xlane v25, v41;
	[tilespmem:s24+$0x380] =	vst v52  }
0xce: {  	v55 =	vperm.xlane v26, v41;
	[tilespmem:s24+$0x1000] =	vst v53  }
0xcf: {  	v56 =	vperm.xlane v27, v41;
	[tilespmem:s24+$0x1080] =	vst v54  }
0xd0: {  	v57 =	vperm.xlane v28, v41;
	[tilespmem:s24+$0x1100] =	vst v55  }
0xd1: {  	s26 =	sshll.u32 s20, $0xF;
	v58 =	vperm.xlane v29, v41;
	[tilespmem:s24+$0x1180] =	vst v56  }
0xd2: {  	v59 =	vperm.xlane v30, v41;
	s0 =	sadd.s32 s5, s26;
	[tilespmem:s24+$0x1200] =	vst v57  }
0xd3: {  	s22 =	sor.u32 $0x1, s22;
	[tilespmem:s24+$0x1280] =	vst v58;
	s0 =	sshrl.u32 s0, $0x3  }
0xd4: {  	s30 =	sshll.u32 s22, $0x8;
	s23 =	simm.s32 $0x0;
	[tilespmem:s24+$0x1300] =	vst v59;
	s0 =	sadd.s32 s1, s0  }
0xd5: {  	[hbm4b:s0+s23] =	stream.linear.scatter [tilespmem:s15], [sflag:$0x4], $0x4000, $0x38;
	[tilespmem:$0x18100] =	vst v63  }
0xd6: {  	s31 =	simm.s32 $0x0;
	s0 =	sand.u32 $0x300, s30  }
0xd7: {  	s25 =	sand.u32 $0x3FFFFF80, s31;
	s24 =	sadd.s32 s0, s21  }
0xd8: {  	s26 =	sand.u32 $0xC00, s23;
	_ =	swait.ge [sflag:s18], $0x4000;
	s0 =	sadd.s32 s25, s24  }
0xd9: {  	s30 =	sand.u32 $0x70, s23;
	[sflag:s18] =	ssyncset.done $0x0;
	s0 =	sadd.s32 s26, s0  }
0xda: {  	[sflag:s18] =	ssyncadd.s32 $0xFFFFC000;
	s0 =	sadd.s32 s30, s0  }
0xdb: {  	v32 =	vld [tilespmem:s0+$0x0];
	_ =	sdelay $0x1  }
0xdc: {  	s31 =	simm.s32 $0x0  }
0xdd: {  	s0 =	sand.u32 $0x3FFFE000, s31  }
0xde: {  	s0 =	sor.u32 s26, s0  }
0xdf: {  	s0 =	sor.u32 s30, s0;
	v60 =	vperm.xlane v16, v32;
	v61 =	vperm.xlane v31, v32  }
0xe0: {  	s21 =	sadd.s32 $0x14100, s0;
	v62 =	vperm.xlane v17, v32;
	v63 =	vperm.xlane v18, v32  }
0xe1: {  	v42 =	vperm.xlane v19, v32;
	v41 =	vperm.xlane v20, v32;
	[tilespmem:s21+$0x1380] =	vst v61  }
0xe2: {  	v40 =	vperm.xlane v21, v32;
	v37 =	vperm.xlane v22, v32;
	[tilespmem:s0+$0x14100] =	vst v60  }
0xe3: {  	v38 =	vperm.xlane v23, v32;
	v34 =	vperm.xlane v24, v32;
	[tilespmem:s21+$0x80] =	vst v62  }
0xe4: {  	s29 =	simm.s32 $0x4;
	v39 =	vperm.xlane v25, v32;
	v35 =	vperm.xlane v26, v32;
	[tilespmem:s21+$0x100] =	vst v63  }
0xe5: {  	s28 =	simm.s32 $0x2;
	s25 =	simm.s32 $0x1;
	s26 =	simm.s32 $0x0;
	v36 =	vperm.xlane v27, v32;
	v33 =	vperm.xlane v28, v32;
	[tilespmem:s21+$0x180] =	vst v42  }
.LBB2_9:
0xe6: {  	p0 =	sne.s32 s28, $0x3F;
	s0 =	sand.u32 $0x3FFFFF80, s29;
	[tilespmem:s21+$0x200] =	vst v41;
	v41 =	vperm.xlane v29, v32;
	v42 =	vperm.xlane v30, v32;
	s23 =	sadd.s32 $0x80, s23  }
0xe7: {  	s26 =	sadd.s32 $0x10, s26;
	s29 =	sand.u32 $0xC00, s23;
	s0 =	sadd.s32 s0, s24;
	[tilespmem:s21+$0x280] =	vst v40  }
0xe8: {  	s30 =	sand.u32 $0x70, s26;
	s0 =	sadd.s32 s29, s0;
	[tilespmem:s21+$0x300] =	vst v37  }
0xe9: {  	s0 =	sadd.s32 s30, s0;
	[tilespmem:s21+$0x380] =	vst v38  }
0xea: {  	v32 =	vld [tilespmem:s0+$0x0];
	[tilespmem:s21+$0x1000] =	vst v34  }
0xeb: {  	[tilespmem:s21+$0x1080] =	vst v39  }
0xec: {  	s0 =	sshll.u32 s25, $0x8;
	s25 =	smov.u32 s28;
	[tilespmem:s21+$0x1100] =	vst v35  }
0xed: {  	s0 =	sand.u32 $0x3FFFE000, s0;
	[tilespmem:s21+$0x1180] =	vst v36  }
0xee: {  	s0 =	sor.u32 s29, s0;
	[tilespmem:s21+$0x1200] =	vst v33  }
0xef: {  	s0 =	sor.u32 s30, s0;
	v33 =	vperm.xlane v16, v32;
	v34 =	vperm.xlane v31, v32;
	[tilespmem:s21+$0x1280] =	vst v41  }
0xf0: {  	v35 =	vperm.xlane v17, v32;
	v36 =	vperm.xlane v18, v32;
	[tilespmem:s21+$0x1300] =	vst v42;
	s21 =	sadd.s32 $0x14100, s0  }
.Ltmp3:
0xf1: {  	v41 =	vperm.xlane v20, v32;
	v42 =	vperm.xlane v19, v32;
	[tilespmem:s21+$0x1380] =	vst v34;
	(pc) =	sbr.rel @p0 .LBB2_9-.Ltmp3, $4  }
0xf2: {  	v40 =	vperm.xlane v21, v32;
	v37 =	vperm.xlane v22, v32;
	[tilespmem:s0+$0x14100] =	vst v33  }
0xf3: {  	v38 =	vperm.xlane v23, v32;
	v34 =	vperm.xlane v24, v32;
	[tilespmem:s21+$0x80] =	vst v35  }
0xf4: {  	v39 =	vperm.xlane v25, v32;
	v35 =	vperm.xlane v26, v32;
	[tilespmem:s21+$0x100] =	vst v36  }
0xf5: {  	s28 =	sadd.s32 $0x1, s28;
	s29 =	sshll.u32 s25, $0x2;
	v33 =	vperm.xlane v28, v32;
	v36 =	vperm.xlane v27, v32;
	[tilespmem:s21+$0x180] =	vst v42  }
0xf6: {  	s0 =	sand.u32 $0x3FFFFF80, s29;
	[tilespmem:s21+$0x200] =	vst v41;
	s23 =	sadd.s32 $0x80, s23  }
0xf7: {  	[tilespmem:s21+$0x280] =	vst v40;
	s28 =	sadd.s32 $0x10, s26;
	s23 =	sand.u32 $0xC00, s23;
	s0 =	sadd.s32 s0, s24  }
0xf8: {  	[tilespmem:s21+$0x300] =	vst v37;
	s24 =	sand.u32 $0x70, s28;
	s0 =	sadd.s32 s23, s0  }
0xf9: {  	[tilespmem:s21+$0x380] =	vst v38;
	s0 =	sadd.s32 s24, s0  }
0xfa: {  	[tilespmem:s21+$0x1000] =	vst v34;
	v45 =	vld [tilespmem:s0+$0x0]  }
0xfb: {  	[tilespmem:s21+$0x1080] =	vst v39  }
0xfc: {  	s29 =	sshll.u32 s25, $0x8;
	[tilespmem:s21+$0x1100] =	vst v35  }
0xfd: {  	v46 =	vperm.xlane v29, v32;
	[tilespmem:s21+$0x1180] =	vst v36;
	s0 =	sand.u32 $0x3FFFE000, s29  }
0xfe: {  	v47 =	vperm.xlane v30, v32;
	[tilespmem:s21+$0x1200] =	vst v33;
	s0 =	sor.u32 s23, s0  }
0xff: {  	[tilespmem:s21+$0x1280] =	vst v46;
	s0 =	sor.u32 s24, s0;
	v48 =	vperm.xlane v31, v45  }
0x100: {  	[tilespmem:s21+$0x1300] =	vst v47;
	s30 =	sadd.s32 $0x14100, s0;
	v49 =	vperm.xlane v16, v45  }
0x101: {  	v50 =	vperm.xlane v17, v45;
	[tilespmem:s30+$0x1380] =	vst v48  }
0x102: {  	v51 =	vperm.xlane v18, v45;
	[tilespmem:s0+$0x14100] =	vst v49  }
0x103: {  	v52 =	vperm.xlane v19, v45;
	[tilespmem:s30+$0x80] =	vst v50  }
0x104: {  	v53 =	vperm.xlane v20, v45;
	[tilespmem:s30+$0x100] =	vst v51  }
0x105: {  	v54 =	vperm.xlane v21, v45;
	[tilespmem:s30+$0x180] =	vst v52  }
0x106: {  	v55 =	vperm.xlane v22, v45;
	[tilespmem:s30+$0x200] =	vst v53  }
0x107: {  	v56 =	vperm.xlane v23, v45;
	[tilespmem:s30+$0x280] =	vst v54  }
0x108: {  	v57 =	vperm.xlane v24, v45;
	[tilespmem:s30+$0x300] =	vst v55  }
0x109: {  	v58 =	vperm.xlane v25, v45;
	[tilespmem:s30+$0x380] =	vst v56  }
0x10a: {  	v59 =	vperm.xlane v26, v45;
	[tilespmem:s30+$0x1000] =	vst v57  }
0x10b: {  	s20 =	sadd.s32 $0x1, s20;
	v60 =	vperm.xlane v27, v45;
	[tilespmem:s30+$0x1080] =	vst v58  }
0x10c: {  	p0 =	sne.s32 s20, $0x20;
	v61 =	vperm.xlane v28, v45;
	[tilespmem:s30+$0x1100] =	vst v59  }
.Ltmp4:
0x10d: {  	s31 =	sshll.u32 s22, $0xE;
	v62 =	vperm.xlane v29, v45;
	[tilespmem:s30+$0x1180] =	vst v60;
	(pc) =	sbr.rel @p0 .LBB2_6-.Ltmp4, $4  }
0x10e: {  	v63 =	vperm.xlane v30, v45;
	s0 =	sadd.s32 s5, s31;
	[tilespmem:s30+$0x1200] =	vst v61  }
0x10f: {  	[tilespmem:s30+$0x1280] =	vst v62;
	s0 =	sshrl.u32 s0, $0x3  }
0x110: {  	[tilespmem:s30+$0x1300] =	vst v63;
	s0 =	sadd.s32 s1, s0  }
0x111: {  	[hbm4b:s0+s3] =	stream.linear.scatter [tilespmem:s16], [sflag:$0x5], $0x4000, $0x38;
	[tilespmem:$0x18100] =	vst v63  }
0x112: {  	s19 =	sadd.s32 $0x1, s19  }
0x113: {  	_ =	swait.ge [sflag:s17], $0x4000;
	p0 =	sne.s32 s19, s10  }
.Ltmp5:
0x114: {  	[sflag:s17] =	ssyncset.done $0x0;
	(pc) =	sbr.rel @p0 .LBB2_1-.Ltmp5, $4  }
0x115: {  	[sflag:s17] =	ssyncadd.s32 $0xFFFFC000  }
0x116: {  	_ =	swait.ge [sflag:s18], $0x4000  }
0x117: {  	[sflag:s18] =	ssyncset.done $0x0  }
0x118: {  	[sflag:s18] =	ssyncadd.s32 $0xFFFFC000  }
0x119: {  	_ =	sfence.sel $0x180000  }
0x11a: {  	[bflag:$0x0] =	sbarrier.arrive $0xFFFF  }
0x11b: {  	_ =	strace $0x90000047  }
0x11c: {  	[bflag:$0x2] =	sbarrier.arrive $0xFFFF  }
0x11d: {  	p0 =	sne.s32 s2, $0x0;
	s0 =	rddreg [dreg:$0x3]  }
0x11e: {  	s0 =	sadd.s32 @!p0 $0x100000, s0  }
0x11f: {  	[sflag:s0] =	ssyncadd.tile.s32 @!p0 $0x1;
	_ =	shalt  }
.Lfunc_end2:
_tile_overlayer_lowered:
.L_overlay_start_2:
0x120: {  	(tag) =	ssettag $0x2  }
0x121: {  	s0 =	rddreg [dreg:$0x0];
	s2 =	stileid.u32  }
0x122: {  	s1 =	rddreg [dreg:$0x1];
	p0 =	sne.s32 s2, $0x0  }
0x123: {  	s3 =	rddreg [dreg:$0x2];
	[bflag:$0x3] =	sbarrier.arrive $0xFFFF;
	s2 =	simm.s32 @!p0 $0x1C06  }
0x124: {  	[timem:s3], [sflag:s2] =	dma.local @!p0 [hbm:s0], s1  }
0x125: {  	s0 =	simm.s32 @!p0 $0x6  }
0x126: {  	_ =	swait.ge @!p0 [sflag:s0], s1  }
0x127: {  	s1 =	ssub.s32 @!p0 $0x0, s1;
	[sflag:s0] =	ssyncset.done @!p0 $0x0  }
0x128: {  	[sflag:s0] =	ssyncadd.s32 @!p0 s1  }
0x129: {  	[bflag:$0x3] =	sbarrier.arrive $0xFFFF  }
0x12a: {  	_ =	shalt  }

</sc_bundles>
